<compile_context>
chip_gen: v7x
topology: tpu7x:2x2x1
jax: 0.10.2.dev20260603
libtpu: 0.0.44.dev20260713+nightly
codegen_flags: <defaults>
</compile_context>

<pallas_src>
import functools

import jax
import jax.numpy as jnp
from jax import lax
from jax.experimental import pallas as pl
from jax.experimental.pallas import tpu as pltpu
from jax.experimental.pallas import tpu_sc as plsc

PI = 3.14159265358
TWO_PI = 2.0 * PI
DR = 1e-05
LN = 16
NW = 32
P_BLK = 256
E_BLK = P_BLK * LN


def _sc_stage_a(xc0, xc1, xc2, nbflat, fneighbor, t3, batch, npad, nq):
    pw = npad // NW
    qw = nq // NW
    mesh = plsc.VectorSubcoreMesh(core_axis_name="c", subcore_axis_name="s")

    @functools.partial(
        pl.kernel, mesh=mesh,
        compiler_params=pltpu.CompilerParams(needs_layout_passes=False, use_tc_tiling_on_sc=False),
        out_type=[
            jax.ShapeDtypeStruct((npad * LN,), jnp.float32),
            jax.ShapeDtypeStruct((nq, LN), jnp.int32),
            jax.ShapeDtypeStruct((nq, LN), jnp.float32),
        ],
        scratch_types=[
            pltpu.VMEM((npad,), jnp.float32),
            pltpu.VMEM((npad,), jnp.float32),
            pltpu.VMEM((npad,), jnp.float32),
            pltpu.VMEM((pw * LN,), jnp.int32),
            pltpu.VMEM((pw * LN,), jnp.float32),
            pltpu.VMEM((qw,), jnp.int32),
            pltpu.VMEM((qw, LN), jnp.int32),
            pltpu.VMEM((qw, LN), jnp.float32),
            pltpu.SemaphoreType.DMA,
        ],
    )
    def k(xc0_h, xc1_h, xc2_h, nb_h, fn_h, t3_h, batch_h,
          s2_h, nbout_h, cout_h,
          x0_v, x1_v, x2_v, nb_v, s2_v, bidx_v, nbr_v, crow_v, sem):
        w = lax.axis_index("s") * 2 + lax.axis_index("c")
        bbase = w * qw
        pltpu.sync_copy(batch_h.at[pl.ds(bbase, qw)], bidx_v)
        pltpu.async_copy(fn_h.at[bidx_v], nbr_v, sem).wait()
        pltpu.sync_copy(nbr_v, nbout_h.at[pl.ds(bbase, qw)])
        pltpu.async_copy(t3_h.at[bidx_v], crow_v, sem).wait()
        pltpu.sync_copy(crow_v, cout_h.at[pl.ds(bbase, qw)])
        pltpu.sync_copy(xc0_h, x0_v)
        pltpu.sync_copy(xc1_h, x1_v)
        pltpu.sync_copy(xc2_h, x2_v)
        pbase = w * pw
        pltpu.sync_copy(nb_h.at[pl.ds(pbase * LN, pw * LN)], nb_v)

        def body(p, carry):
            idxv = nb_v[pl.ds(p * LN, LN)]
            nn = jnp.full((LN,), pbase + p, jnp.int32)
            acc = jnp.zeros((LN,), jnp.float32)
            for xv in (x0_v, x1_v, x2_v):
                g = plsc.load_gather(xv, [idxv])
                c = plsc.load_gather(xv, [nn])
                df = jnp.abs(c - g)
                mm = jnp.minimum(df, TWO_PI - df)
                acc = acc + mm * mm
            s2_v[pl.ds(p * LN, LN)] = acc
            return carry

        lax.fori_loop(0, pw, body, 0)
        pltpu.sync_copy(s2_v, s2_h.at[pl.ds(pbase * LN, pw * LN)])

    return k(xc0, xc1, xc2, nbflat, fneighbor, t3, batch)


def _sc_stage_b(t2, nbflat, nedge):
    ew = nedge // NW
    chunk = 128
    nchunk = ew // chunk
    mesh = plsc.VectorSubcoreMesh(core_axis_name="c", subcore_axis_name="s")

    @functools.partial(
        pl.kernel, mesh=mesh,
        compiler_params=pltpu.CompilerParams(needs_layout_passes=False, use_tc_tiling_on_sc=False),
        out_type=jax.ShapeDtypeStruct((nedge, LN), jnp.float32),
        scratch_types=[
            pltpu.VMEM((chunk,), jnp.int32),
            pltpu.VMEM((chunk, LN), jnp.float32),
            pltpu.SemaphoreType.DMA,
        ],
    )
    def k(t2_h, idx_h, out_h, idx_v, rows_v, sem):
        w = lax.axis_index("s") * 2 + lax.axis_index("c")
        base = w * ew

        def body(kk, carry):
            off = base + kk * chunk
            pltpu.sync_copy(idx_h.at[pl.ds(off, chunk)], idx_v)
            pltpu.async_copy(t2_h.at[idx_v], rows_v, sem).wait()
            pltpu.sync_copy(rows_v, out_h.at[pl.ds(off, chunk)])
            return carry

        lax.fori_loop(0, nchunk, body, 0)

    return k(t2, nbflat)


def _mlp(rcol, w1r, b1r, w2t, b2r, w3t, b3r, w4c, b4s, alpha):
    h1 = jnp.tanh(rcol * w1r + b1r)
    h2 = jnp.tanh(jnp.dot(h1, w2t, preferred_element_type=jnp.float32) + b2r)
    h3 = jnp.tanh(jnp.dot(h2, w3t, preferred_element_type=jnp.float32) + b3r)
    out = jnp.dot(h3, w4c, preferred_element_type=jnp.float32) + b4s
    return out * jax.nn.sigmoid(10.0 * (1.0 - rcol)) * alpha


def _expand(x, k=None):
    p, ln = x.shape
    return jnp.broadcast_to(x[:, None, :], (p, LN, ln)).reshape(p * LN, ln)


def _reduce16(x):
    e, kk = x.shape
    return jnp.sum(x.reshape(e // LN, LN, kk), axis=1)


def _tc_a_body(sc_ref, s2_ref, w1r, b1r, w2t, b2r, w3t, b3r, w4c, b4s,
               out_ref):
    s2 = s2_ref[...]
    a = _expand(s2)
    lane = lax.broadcasted_iota(jnp.int32, (E_BLK, LN), 1)
    emod = lax.broadcasted_iota(jnp.int32, (E_BLK, LN), 0) % LN
    s2col = jnp.sum(jnp.where(lane == emod, a, 0.0), axis=1, keepdims=True)
    hval, alpha = sc_ref[0, 0], sc_ref[0, 1]
    r = jnp.sqrt(s2col) / hval
    args = (w1r[...], b1r[...], w2t[...], b2r[...], w3t[...], b3r[...],
            w4c[...], b4s[...], alpha)
    wv = _mlp(r, *args)
    w0 = _mlp(jnp.zeros((P_BLK, 1), jnp.float32), *args)
    out_ref[...] = w0 + _reduce16(wv)


def _tc_b_body(sc_ref, g2_ref, c_ref, w1r, b1r, w2t, b2r, w3t, b3r, w4c,
               b4s, out_ref):
    g = g2_ref[...]
    cp = c_ref[...]
    cb = _expand(cp)
    lane = lax.broadcasted_iota(jnp.int32, (E_BLK, LN), 1)
    xmask = (lane >= 8) & (lane < 11)
    dv = cb - g
    t1 = jnp.abs(dv)
    sgn_nz = jnp.where((dv > PI) | ((dv < 0.0) & (dv > -PI)), -1.0, 1.0)
    sgn = jnp.where((t1 == PI) | (dv == 0.0), 0.0, sgn_nz)
    ov = sgn * jnp.minimum(t1, TWO_PI - t1)
    ov = jnp.where(xmask, ov, 0.0)
    ox = jnp.sum(jnp.where(lane == 8, ov, 0.0), axis=1, keepdims=True)
    oy = jnp.sum(jnp.where(lane == 9, ov, 0.0), axis=1, keepdims=True)
    oz = jnp.sum(jnp.where(lane == 10, ov, 0.0), axis=1, keepdims=True)
    out2 = (ox * ox + oy * oy) + oz * oz
    r0 = jnp.sqrt(out2)
    hval, alpha = sc_ref[0, 0], sc_ref[0, 1]
    dis = r0 / hval
    args = (w1r[...], b1r[...], w2t[...], b2r[...], w3t[...], b3r[...],
            w4c[...], b4s[...], alpha)
    wd = _mlp(dis, *args)
    dwdr = (_mlp(dis + DR, *args) - _mlp(dis - DR, *args)) / (2.0 * DR) / hval
    disv = ov * (1.0 / r0)
    rnb = jnp.sum(jnp.where(lane == 11, g, 0.0), axis=1, keepdims=True)
    fn1 = jnp.sum(jnp.where(lane == 1, g, 0.0), axis=1, keepdims=True)
    ffb = jnp.sum(jnp.where(lane == 0, cb, 0.0), axis=1, keepdims=True)
    fmask = lane < 8
    valrho = jnp.where(fmask, g, 0.0) * (wd / rnb)
    vald = ((fn1 - ffb) * dwdr) * disv
    rho_p = _reduce16(valrho)
    d_p = _reduce16(vald)
    w0 = _mlp(jnp.zeros((P_BLK, 1), jnp.float32), *args)
    rho_f = w0 + _reduce16(wd)
    plane = lax.broadcasted_iota(jnp.int32, (P_BLK, LN), 1)
    out_ref[...] = jnp.where(plane < 8, rho_p, d_p / rho_f)


def kernel(X, Xfield, f, ffield, batch, neighbor, fneighbor, h, alpha,
           W1, b1, W2, b2, W3, b3, W4, b4):
    n = X.shape[0]
    nfield = Xfield.shape[0]
    nq = batch.shape[0]
    npad = ((n + NW * 8 - 1) // (NW * 8)) * (NW * 8)
    while npad % P_BLK:
        npad += NW * 8
    padrows = npad - n

    xp = jnp.concatenate([X, jnp.zeros((padrows, 3), jnp.float32)], axis=0)
    nbp = jnp.concatenate(
        [neighbor, jnp.zeros((padrows, LN), jnp.int32)], axis=0)
    t3 = jnp.concatenate([
        ffield[:, None], jnp.zeros((nfield, 7), jnp.float32), Xfield,
        jnp.zeros((nfield, 5), jnp.float32)], axis=1)

    s2flat, nbrows, crows = _sc_stage_a(
        xp[:, 0], xp[:, 1], xp[:, 2], nbp.reshape(-1), fneighbor, t3, batch,
        npad, nq)
    s2 = s2flat.reshape(npad, LN)

    sc = jnp.stack([h.astype(jnp.float32), alpha.astype(jnp.float32)]
                   ).reshape(1, 2)
    w1r = W1.T.reshape(1, 20)
    b1r = b1.reshape(1, 20)
    w2t = W2.T
    b2r = b2.reshape(1, 100)
    w3t = W3.T
    b3r = b3.reshape(1, 20)
    w4c = W4.T.reshape(20, 1)
    b4s = b4.reshape(1, 1)
    wargs = (w1r, b1r, w2t, b2r, w3t, b3r, w4c, b4s)
    wspecs = [pl.BlockSpec(a.shape, lambda g: (0, 0)) for a in wargs]
    hspec = pl.BlockSpec((1, 2), lambda g: (0, 0))

    rho_all = pl.pallas_call(
        _tc_a_body,
        grid=(npad // P_BLK,),
        in_specs=[hspec, pl.BlockSpec((P_BLK, LN), lambda g: (g, 0))] + wspecs,
        out_specs=pl.BlockSpec((P_BLK, 1), lambda g: (g, 0)),
        out_shape=jax.ShapeDtypeStruct((npad, 1), jnp.float32),
    )(sc, s2, *wargs)

    t2 = jnp.concatenate([f, X, rho_all[:n], jnp.zeros((n, 4), jnp.float32)],
                         axis=1)
    g2 = _sc_stage_b(t2, nbrows.reshape(-1), nq * LN)

    out = pl.pallas_call(
        _tc_b_body,
        grid=(nq // P_BLK,),
        in_specs=[hspec,
                  pl.BlockSpec((E_BLK, LN), lambda g: (g, 0)),
                  pl.BlockSpec((P_BLK, LN), lambda g: (g, 0))] + wspecs,
        out_specs=pl.BlockSpec((P_BLK, LN), lambda g: (g, 0)),
        out_shape=jax.ShapeDtypeStruct((nq, LN), jnp.float32),
    )(sc, g2, crows, *wargs)

    return out[:, :8], out[:, 8:11]

# --- scband reference (transcript-rebuilt; emitter-appended) ---
"""Pipeline reference for scband-kernel-33638183862956 (READ-ONLY COPY).

The authoritative reference and input builder live on the scoring server;
editing this copy changes nothing except your own understanding.
"""

import jax, jax.numpy as jnp
import numpy as np

N = 10000
NFIELD = 10000
LNEIGH = 16
D = 3
PI = 3.14159265358
B = 4096
FDIM = 8


def setup_inputs(seed: int = 0):
    key = jax.random.key(seed)
    ks = jax.random.split(key, 12)
    X = jax.random.uniform(ks[0], (N, D), dtype=jnp.float32) * 2.0 * PI
    Xfield = jax.random.uniform(ks[1], (NFIELD, D), dtype=jnp.float32) * 2.0 * PI
    f = jax.random.normal(ks[2], (N, FDIM), dtype=jnp.float32)
    ffield = jax.random.normal(ks[3], (NFIELD,), dtype=jnp.float32)
    batch = jax.random.randint(ks[4], (B,), 0, NFIELD, dtype=jnp.int32)
    neighbor = jax.random.randint(ks[5], (N, LNEIGH), 0, N, dtype=jnp.int32)
    fneighbor = jax.random.randint(ks[6], (NFIELD, LNEIGH), 0, N, dtype=jnp.int32)
    h = jnp.asarray(((2.0 * np.pi) ** 3 / N * LNEIGH / np.pi / (4.0 / 3.0)) ** (1.0 / 3.0), dtype=jnp.float32)
    alpha = jnp.asarray(100.0, dtype=jnp.float32)

    def lin(k, fan_in, fan_out):
        k1, k2 = jax.random.split(k)
        bound = 1.0 / np.sqrt(fan_in)
        W = jax.random.uniform(k1, (fan_out, fan_in), minval=-bound, maxval=bound, dtype=jnp.float32)
        b = jax.random.uniform(k2, (fan_out,), minval=-bound, maxval=bound, dtype=jnp.float32)
        return W, b

    W1, b1 = lin(ks[7], 1, 20)
    W2, b2 = lin(ks[8], 20, 100)
    W3, b3 = lin(ks[9], 100, 20)
    W4, b4 = lin(ks[10], 20, 1)
    return {"X": X, "Xfield": Xfield, "f": f, "ffield": ffield, "batch": batch,
            "neighbor": neighbor, "fneighbor": fneighbor, "h": h, "alpha": alpha,
            "W1": W1, "b1": b1, "W2": W2, "b2": b2, "W3": W3, "b3": b3, "W4": W4, "b4": b4}


def _forward(X, Xfield, f, ffield, batch, neighbor, fneighbor, h, alpha, W1, b1, W2, b2, W3, b3, W4, b4):
    def wnn_nn(r):
        r2 = r.reshape(-1, 1)
        out = jnp.tanh(r2 @ W1.T + b1)
        out = jnp.tanh(out @ W2.T + b2)
        out = jnp.tanh(out @ W3.T + b3)
        out = out @ W4.T + b4
        out = out * jax.nn.sigmoid(10.0 * (1.0 - r2)) * alpha
        return out.reshape(-1)

    def wnn_r(r):
        dr = 1e-05
        x1 = r.reshape(-1, 1) + dr
        x2 = r.reshape(-1, 1) - dr
        return (wnn_nn(x1) - wnn_nn(x2)) / (2.0 * dr) / h

    def cal_dis(i, idx):
        diff = jnp.abs(X[idx] - X[neighbor[idx, i]])
        m = jnp.minimum(diff, 2.0 * PI - diff)
        return jnp.sqrt(jnp.sum(m * m, axis=1)) / h

    def cal_dis_field(i, idx):
        diff = jnp.abs(Xfield[idx] - X[fneighbor[idx, i]])
        m = jnp.minimum(diff, 2.0 * PI - diff)
        return jnp.sqrt(jnp.sum(m * m, axis=1)) / h

    def cal_disv(i, idx):
        diff = Xfield[idx] - X[fneighbor[idx, i]]
        temp1 = jnp.abs(diff)
        s = -jnp.sign(diff) * jnp.sign(diff + PI) * jnp.sign(diff - PI)
        out = s * jnp.minimum(temp1, 2.0 * PI - temp1)
        out2 = jnp.sum(out * out, axis=1).reshape(-1, 1)
        r = jnp.sqrt(out2)
        return r / h, out / r

    def cal_rho_nn(idx):
        rho = wnn_nn(jnp.zeros((idx.shape[0],), dtype=jnp.float32))
        for i in range(LNEIGH):
            rho = rho + wnn_nn(cal_dis(i, idx))
        return rho

    def cal_rho_nn_field(idx):
        rho = wnn_nn(jnp.zeros((idx.shape[0],), dtype=jnp.float32))
        for i in range(LNEIGH):
            rho = rho + wnn_nn(cal_dis_field(i, idx))
        return rho

    rho_f = cal_rho_nn_field(batch).reshape(-1, 1)
    rho = jnp.zeros((batch.shape[0], f.shape[-1]), dtype=jnp.float32)
    drhodx = jnp.zeros((batch.shape[0], D), dtype=jnp.float32)
    for i in range(LNEIGH):
        nb = fneighbor[batch, i]
        rho_p = cal_rho_nn(nb)
        dis, disv = cal_disv(i, batch)
        rho = rho + f[nb] * wnn_nn(dis).reshape(-1, 1) / rho_p.reshape(-1, 1)
        dwdr = wnn_r(dis).reshape(-1, 1)
        drhodx = drhodx + (f[nb, 1] - ffield[batch]).reshape(-1, 1) * disv * dwdr
    return rho, drhodx / rho_f


def reference(X, Xfield, f, ffield, batch, neighbor, fneighbor, h, alpha, W1, b1, W2, b2, W3, b3, W4, b4):
    return _forward(X, Xfield, f, ffield, batch, neighbor, fneighbor, h, alpha, W1, b1, W2, b2, W3, b3, W4, b4)

if __name__ == "__main__":
    import jax
    _d = setup_inputs()
    print(jax.jit(kernel)(*tuple(_d.values())))

</pallas_src>

<mosaic_0001>
#map = affine_map<(d0, d1) -> (0, 0)>
#map1 = affine_map<(d0, d1) -> (0)>
module attributes {stable_mosaic.version = 14 : i64} {
  func.func @k(%arg0: i32, %arg1: i32, %arg2: memref<10000x16xf32, #tpu.memory_space<hbm>>, %arg3: memref<65536xi32, #tpu.memory_space<hbm>>, %arg4: memref<65536x16xf32, #tpu.memory_space<hbm>>, %arg5: memref<128xi32, #tpu.memory_space<vmem>>, %arg6: memref<128x16xf32, #tpu.memory_space<vmem>>, %arg7: memref<!tpu.dma_semaphore, #tpu.memory_space<semaphore_mem>>) attributes {dimension_semantics = [#tpu.dimension_semantics<core_parallel>, #tpu.dimension_semantics<subcore_parallel>], iteration_bounds = array<i64: 2, 16>, scalar_prefetch = 0 : i64, scratch_operands = 3 : i64, tpu.core_type = #tpu.core_type<sc_vector_subcore>, window_params = [{transform_indices = #map}, {transform_indices = #map1}, {transform_indices = #map}]} {
    %mul3A = arith.constant 2 : i32
    %mul3A_0 = arith.muli %arg1, %mul3A : i32
    %add3A = arith.addi %mul3A_0, %arg0 : i32
    %mul3A_1 = arith.constant 2048 : i32
    %mul3A_2 = arith.muli %add3A, %mul3A_1 : i32
    %scan3A = arith.constant 0 : i32
    %scan3A_3 = arith.constant 0 : i32
    %scan3A_4 = arith.constant 16 : i32
    %scan3A_5 = arith.addi %scan3A_3, %scan3A_4 : i32
    %scan3A_6 = arith.constant 1 : i32
    scf.for %scan3A_8 = %scan3A_3 to %scan3A_5 step %scan3A_6  : i32 {
      %mul3A_9 = arith.constant 128 : i32
      %mul3A_10 = arith.muli %scan3A_8, %mul3A_9 : i32
      %add3A_11 = arith.addi %mul3A_2, %mul3A_10 : i32
      "tpu.region"() ({
        %run_scoped3A = tpu.sem_alloc : memref<!tpu.dma_semaphore, #tpu.memory_space<semaphore_mem>>
        %dma_start3A_16 = tpu.memref_slice %arg3[%add3A_11] : memref<65536xi32, #tpu.memory_space<hbm>> -> memref<128xi32, #tpu.memory_space<hbm>>
        %dma_start3A_17 = tpu.memref_slice %arg3[%add3A_11] : memref<65536xi32, #tpu.memory_space<hbm>> -> memref<128xi32, #tpu.memory_space<hbm>>
        tpu.enqueue_dma source(%dma_start3A_17 : memref<128xi32, #tpu.memory_space<hbm>>) target(%arg5 : memref<128xi32, #tpu.memory_space<vmem>>) target_semaphore(%run_scoped3A : memref<!tpu.dma_semaphore, #tpu.memory_space<semaphore_mem>>)
        %dma_wait3A_18 = tpu.memref_slice %arg3[%add3A_11] : memref<65536xi32, #tpu.memory_space<hbm>> -> memref<128xi32, #tpu.memory_space<hbm>>
        %dma_wait3A_19 = tpu.memref_slice %arg3[%add3A_11] : memref<65536xi32, #tpu.memory_space<hbm>> -> memref<128xi32, #tpu.memory_space<hbm>>
        tpu.wait_dma2 semaphore(%run_scoped3A : memref<!tpu.dma_semaphore, #tpu.memory_space<semaphore_mem>>) src(%dma_wait3A_19 : memref<128xi32, #tpu.memory_space<hbm>>) dst(%arg5 : memref<128xi32, #tpu.memory_space<vmem>>)
        tpu.yield
      }) : () -> ()
      %dma_start3A = arith.constant 0 : i32
      %dma_start3A_12 = arith.constant 0 : i32
      %dma_start3A_13 = tpu.memref_slice %arg2[%dma_start3A, %dma_start3A_12] : memref<10000x16xf32, #tpu.memory_space<hbm>> -> memref<10000x16xf32, #tpu.memory_space<hbm>>
      tpu.enqueue_indirect_dma source(%dma_start3A_13 : memref<10000x16xf32, #tpu.memory_space<hbm>>) target(%arg6 : memref<128x16xf32, #tpu.memory_space<vmem>>) offsets(%arg5 : memref<128xi32, #tpu.memory_space<vmem>>) semaphore(%arg7 : memref<!tpu.dma_semaphore, #tpu.memory_space<semaphore_mem>>)
      %dma_wait3A = arith.constant 0 : i32
      %dma_wait3A_14 = arith.constant 0 : i32
      %dma_wait3A_15 = tpu.memref_slice %arg2[%dma_wait3A, %dma_wait3A_14] : memref<10000x16xf32, #tpu.memory_space<hbm>> -> memref<10000x16xf32, #tpu.memory_space<hbm>>
      tpu.wait_indirect_dma semaphore(%arg7 : memref<!tpu.dma_semaphore, #tpu.memory_space<semaphore_mem>>) src(%dma_wait3A_15 : memref<10000x16xf32, #tpu.memory_space<hbm>>) dst(%arg6 : memref<128x16xf32, #tpu.memory_space<vmem>>)
      "tpu.region"() ({
        %run_scoped3A = tpu.sem_alloc : memref<!tpu.dma_semaphore, #tpu.memory_space<semaphore_mem>>
        %dma_start3A_16 = arith.constant 0 : i32
        %dma_start3A_17 = tpu.memref_slice %arg4[%add3A_11, %dma_start3A_16] : memref<65536x16xf32, #tpu.memory_space<hbm>> -> memref<128x16xf32, #tpu.memory_space<hbm>>
        %dma_start3A_18 = arith.constant 0 : i32
        %dma_start3A_19 = tpu.memref_slice %arg4[%add3A_11, %dma_start3A_18] : memref<65536x16xf32, #tpu.memory_space<hbm>> -> memref<128x16xf32, #tpu.memory_space<hbm>>
        tpu.enqueue_dma source(%arg6 : memref<128x16xf32, #tpu.memory_space<vmem>>) target(%dma_start3A_19 : memref<128x16xf32, #tpu.memory_space<hbm>>) target_semaphore(%run_scoped3A : memref<!tpu.dma_semaphore, #tpu.memory_space<semaphore_mem>>)
        %dma_wait3A_20 = arith.constant 0 : i32
        %dma_wait3A_21 = tpu.memref_slice %arg4[%add3A_11, %dma_wait3A_20] : memref<65536x16xf32, #tpu.memory_space<hbm>> -> memref<128x16xf32, #tpu.memory_space<hbm>>
        %dma_wait3A_22 = arith.constant 0 : i32
        %dma_wait3A_23 = tpu.memref_slice %arg4[%add3A_11, %dma_wait3A_22] : memref<65536x16xf32, #tpu.memory_space<hbm>> -> memref<128x16xf32, #tpu.memory_space<hbm>>
        tpu.wait_dma2 semaphore(%run_scoped3A : memref<!tpu.dma_semaphore, #tpu.memory_space<semaphore_mem>>) src(%arg6 : memref<128x16xf32, #tpu.memory_space<vmem>>) dst(%dma_wait3A_23 : memref<128x16xf32, #tpu.memory_space<hbm>>)
        tpu.yield
      }) : () -> ()
    }
    %scan3A_7 = arith.constant 16 : i32
    return
  }
}

#map = affine_map<(d0, d1) -> (0)>
#map1 = affine_map<(d0, d1) -> (0, 0)>
module attributes {stable_mosaic.version = 14 : i64} {
  func.func @k(%arg0: i32, %arg1: i32, %arg2: memref<10240xf32, #tpu.memory_space<hbm>>, %arg3: memref<10240xf32, #tpu.memory_space<hbm>>, %arg4: memref<10240xf32, #tpu.memory_space<hbm>>, %arg5: memref<163840xi32, #tpu.memory_space<hbm>>, %arg6: memref<10000x16xi32, #tpu.memory_space<hbm>>, %arg7: memref<10000x16xf32, #tpu.memory_space<hbm>>, %arg8: memref<4096xi32, #tpu.memory_space<hbm>>, %arg9: memref<163840xf32, #tpu.memory_space<hbm>>, %arg10: memref<4096x16xi32, #tpu.memory_space<hbm>>, %arg11: memref<4096x16xf32, #tpu.memory_space<hbm>>, %arg12: memref<10240xf32, #tpu.memory_space<vmem>>, %arg13: memref<10240xf32, #tpu.memory_space<vmem>>, %arg14: memref<10240xf32, #tpu.memory_space<vmem>>, %arg15: memref<5120xi32, #tpu.memory_space<vmem>>, %arg16: memref<5120xf32, #tpu.memory_space<vmem>>, %arg17: memref<128xi32, #tpu.memory_space<vmem>>, %arg18: memref<128x16xi32, #tpu.memory_space<vmem>>, %arg19: memref<128x16xf32, #tpu.memory_space<vmem>>, %arg20: memref<!tpu.dma_semaphore, #tpu.memory_space<semaphore_mem>>) attributes {dimension_semantics = [#tpu.dimension_semantics<core_parallel>, #tpu.dimension_semantics<subcore_parallel>], iteration_bounds = array<i64: 2, 16>, scalar_prefetch = 0 : i64, scratch_operands = 9 : i64, tpu.core_type = #tpu.core_type<sc_vector_subcore>, window_params = [{transform_indices = #map}, {transform_indices = #map}, {transform_indices = #map}, {transform_indices = #map}, {transform_indices = #map1}, {transform_indices = #map1}, {transform_indices = #map}, {transform_indices = #map}, {transform_indices = #map1}, {transform_indices = #map1}]} {
    %mul3A = arith.constant 2 : i32
    %mul3A_0 = arith.muli %arg1, %mul3A : i32
    %add3A = arith.addi %mul3A_0, %arg0 : i32
    %mul3A_1 = arith.constant 128 : i32
    %mul3A_2 = arith.muli %add3A, %mul3A_1 : i32
    "tpu.region"() ({
      %run_scoped3A = tpu.sem_alloc : memref<!tpu.dma_semaphore, #tpu.memory_space<semaphore_mem>>
      %dma_start3A_24 = tpu.memref_slice %arg8[%mul3A_2] : memref<4096xi32, #tpu.memory_space<hbm>> -> memref<128xi32, #tpu.memory_space<hbm>>
      %dma_start3A_25 = tpu.memref_slice %arg8[%mul3A_2] : memref<4096xi32, #tpu.memory_space<hbm>> -> memref<128xi32, #tpu.memory_space<hbm>>
      tpu.enqueue_dma source(%dma_start3A_25 : memref<128xi32, #tpu.memory_space<hbm>>) target(%arg17 : memref<128xi32, #tpu.memory_space<vmem>>) target_semaphore(%run_scoped3A : memref<!tpu.dma_semaphore, #tpu.memory_space<semaphore_mem>>)
      %dma_wait3A_26 = tpu.memref_slice %arg8[%mul3A_2] : memref<4096xi32, #tpu.memory_space<hbm>> -> memref<128xi32, #tpu.memory_space<hbm>>
      %dma_wait3A_27 = tpu.memref_slice %arg8[%mul3A_2] : memref<4096xi32, #tpu.memory_space<hbm>> -> memref<128xi32, #tpu.memory_space<hbm>>
      tpu.wait_dma2 semaphore(%run_scoped3A : memref<!tpu.dma_semaphore, #tpu.memory_space<semaphore_mem>>) src(%dma_wait3A_27 : memref<128xi32, #tpu.memory_space<hbm>>) dst(%arg17 : memref<128xi32, #tpu.memory_space<vmem>>)
      tpu.yield
    }) : () -> ()
    %dma_start3A = arith.constant 0 : i32
    %dma_start3A_3 = arith.constant 0 : i32
    %dma_start3A_4 = tpu.memref_slice %arg6[%dma_start3A, %dma_start3A_3] : memref<10000x16xi32, #tpu.memory_space<hbm>> -> memref<10000x16xi32, #tpu.memory_space<hbm>>
    tpu.enqueue_indirect_dma source(%dma_start3A_4 : memref<10000x16xi32, #tpu.memory_space<hbm>>) target(%arg18 : memref<128x16xi32, #tpu.memory_space<vmem>>) offsets(%arg17 : memref<128xi32, #tpu.memory_space<vmem>>) semaphore(%arg20 : memref<!tpu.dma_semaphore, #tpu.memory_space<semaphore_mem>>)
    %dma_wait3A = arith.constant 0 : i32
    %dma_wait3A_5 = arith.constant 0 : i32
    %dma_wait3A_6 = tpu.memref_slice %arg6[%dma_wait3A, %dma_wait3A_5] : memref<10000x16xi32, #tpu.memory_space<hbm>> -> memref<10000x16xi32, #tpu.memory_space<hbm>>
    tpu.wait_indirect_dma semaphore(%arg20 : memref<!tpu.dma_semaphore, #tpu.memory_space<semaphore_mem>>) src(%dma_wait3A_6 : memref<10000x16xi32, #tpu.memory_space<hbm>>) dst(%arg18 : memref<128x16xi32, #tpu.memory_space<vmem>>)
    "tpu.region"() ({
      %run_scoped3A = tpu.sem_alloc : memref<!tpu.dma_semaphore, #tpu.memory_space<semaphore_mem>>
      %dma_start3A_24 = arith.constant 0 : i32
      %dma_start3A_25 = tpu.memref_slice %arg10[%mul3A_2, %dma_start3A_24] : memref<4096x16xi32, #tpu.memory_space<hbm>> -> memref<128x16xi32, #tpu.memory_space<hbm>>
      %dma_start3A_26 = arith.constant 0 : i32
      %dma_start3A_27 = tpu.memref_slice %arg10[%mul3A_2, %dma_start3A_26] : memref<4096x16xi32, #tpu.memory_space<hbm>> -> memref<128x16xi32, #tpu.memory_space<hbm>>
      tpu.enqueue_dma source(%arg18 : memref<128x16xi32, #tpu.memory_space<vmem>>) target(%dma_start3A_27 : memref<128x16xi32, #tpu.memory_space<hbm>>) target_semaphore(%run_scoped3A : memref<!tpu.dma_semaphore, #tpu.memory_space<semaphore_mem>>)
      %dma_wait3A_28 = arith.constant 0 : i32
      %dma_wait3A_29 = tpu.memref_slice %arg10[%mul3A_2, %dma_wait3A_28] : memref<4096x16xi32, #tpu.memory_space<hbm>> -> memref<128x16xi32, #tpu.memory_space<hbm>>
      %dma_wait3A_30 = arith.constant 0 : i32
      %dma_wait3A_31 = tpu.memref_slice %arg10[%mul3A_2, %dma_wait3A_30] : memref<4096x16xi32, #tpu.memory_space<hbm>> -> memref<128x16xi32, #tpu.memory_space<hbm>>
      tpu.wait_dma2 semaphore(%run_scoped3A : memref<!tpu.dma_semaphore, #tpu.memory_space<semaphore_mem>>) src(%arg18 : memref<128x16xi32, #tpu.memory_space<vmem>>) dst(%dma_wait3A_31 : memref<128x16xi32, #tpu.memory_space<hbm>>)
      tpu.yield
    }) : () -> ()
    %dma_start3A_7 = arith.constant 0 : i32
    %dma_start3A_8 = arith.constant 0 : i32
    %dma_start3A_9 = tpu.memref_slice %arg7[%dma_start3A_7, %dma_start3A_8] : memref<10000x16xf32, #tpu.memory_space<hbm>> -> memref<10000x16xf32, #tpu.memory_space<hbm>>
    tpu.enqueue_indirect_dma source(%dma_start3A_9 : memref<10000x16xf32, #tpu.memory_space<hbm>>) target(%arg19 : memref<128x16xf32, #tpu.memory_space<vmem>>) offsets(%arg17 : memref<128xi32, #tpu.memory_space<vmem>>) semaphore(%arg20 : memref<!tpu.dma_semaphore, #tpu.memory_space<semaphore_mem>>)
    %dma_wait3A_10 = arith.constant 0 : i32
    %dma_wait3A_11 = arith.constant 0 : i32
    %dma_wait3A_12 = tpu.memref_slice %arg7[%dma_wait3A_10, %dma_wait3A_11] : memref<10000x16xf32, #tpu.memory_space<hbm>> -> memref<10000x16xf32, #tpu.memory_space<hbm>>
    tpu.wait_indirect_dma semaphore(%arg20 : memref<!tpu.dma_semaphore, #tpu.memory_space<semaphore_mem>>) src(%dma_wait3A_12 : memref<10000x16xf32, #tpu.memory_space<hbm>>) dst(%arg19 : memref<128x16xf32, #tpu.memory_space<vmem>>)
    "tpu.region"() ({
      %run_scoped3A = tpu.sem_alloc : memref<!tpu.dma_semaphore, #tpu.memory_space<semaphore_mem>>
      %dma_start3A_24 = arith.constant 0 : i32
      %dma_start3A_25 = tpu.memref_slice %arg11[%mul3A_2, %dma_start3A_24] : memref<4096x16xf32, #tpu.memory_space<hbm>> -> memref<128x16xf32, #tpu.memory_space<hbm>>
      %dma_start3A_26 = arith.constant 0 : i32
      %dma_start3A_27 = tpu.memref_slice %arg11[%mul3A_2, %dma_start3A_26] : memref<4096x16xf32, #tpu.memory_space<hbm>> -> memref<128x16xf32, #tpu.memory_space<hbm>>
      tpu.enqueue_dma source(%arg19 : memref<128x16xf32, #tpu.memory_space<vmem>>) target(%dma_start3A_27 : memref<128x16xf32, #tpu.memory_space<hbm>>) target_semaphore(%run_scoped3A : memref<!tpu.dma_semaphore, #tpu.memory_space<semaphore_mem>>)
      %dma_wait3A_28 = arith.constant 0 : i32
      %dma_wait3A_29 = tpu.memref_slice %arg11[%mul3A_2, %dma_wait3A_28] : memref<4096x16xf32, #tpu.memory_space<hbm>> -> memref<128x16xf32, #tpu.memory_space<hbm>>
      %dma_wait3A_30 = arith.constant 0 : i32
      %dma_wait3A_31 = tpu.memref_slice %arg11[%mul3A_2, %dma_wait3A_30] : memref<4096x16xf32, #tpu.memory_space<hbm>> -> memref<128x16xf32, #tpu.memory_space<hbm>>
      tpu.wait_dma2 semaphore(%run_scoped3A : memref<!tpu.dma_semaphore, #tpu.memory_space<semaphore_mem>>) src(%arg19 : memref<128x16xf32, #tpu.memory_space<vmem>>) dst(%dma_wait3A_31 : memref<128x16xf32, #tpu.memory_space<hbm>>)
      tpu.yield
    }) : () -> ()
    "tpu.region"() ({
      %run_scoped3A = tpu.sem_alloc : memref<!tpu.dma_semaphore, #tpu.memory_space<semaphore_mem>>
      tpu.enqueue_dma source(%arg2 : memref<10240xf32, #tpu.memory_space<hbm>>) target(%arg12 : memref<10240xf32, #tpu.memory_space<vmem>>) target_semaphore(%run_scoped3A : memref<!tpu.dma_semaphore, #tpu.memory_space<semaphore_mem>>)
      tpu.wait_dma2 semaphore(%run_scoped3A : memref<!tpu.dma_semaphore, #tpu.memory_space<semaphore_mem>>) src(%arg2 : memref<10240xf32, #tpu.memory_space<hbm>>) dst(%arg12 : memref<10240xf32, #tpu.memory_space<vmem>>)
      tpu.yield
    }) : () -> ()
    "tpu.region"() ({
      %run_scoped3A = tpu.sem_alloc : memref<!tpu.dma_semaphore, #tpu.memory_space<semaphore_mem>>
      tpu.enqueue_dma source(%arg3 : memref<10240xf32, #tpu.memory_space<hbm>>) target(%arg13 : memref<10240xf32, #tpu.memory_space<vmem>>) target_semaphore(%run_scoped3A : memref<!tpu.dma_semaphore, #tpu.memory_space<semaphore_mem>>)
      tpu.wait_dma2 semaphore(%run_scoped3A : memref<!tpu.dma_semaphore, #tpu.memory_space<semaphore_mem>>) src(%arg3 : memref<10240xf32, #tpu.memory_space<hbm>>) dst(%arg13 : memref<10240xf32, #tpu.memory_space<vmem>>)
      tpu.yield
    }) : () -> ()
    "tpu.region"() ({
      %run_scoped3A = tpu.sem_alloc : memref<!tpu.dma_semaphore, #tpu.memory_space<semaphore_mem>>
      tpu.enqueue_dma source(%arg4 : memref<10240xf32, #tpu.memory_space<hbm>>) target(%arg14 : memref<10240xf32, #tpu.memory_space<vmem>>) target_semaphore(%run_scoped3A : memref<!tpu.dma_semaphore, #tpu.memory_space<semaphore_mem>>)
      tpu.wait_dma2 semaphore(%run_scoped3A : memref<!tpu.dma_semaphore, #tpu.memory_space<semaphore_mem>>) src(%arg4 : memref<10240xf32, #tpu.memory_space<hbm>>) dst(%arg14 : memref<10240xf32, #tpu.memory_space<vmem>>)
      tpu.yield
    }) : () -> ()
    %mul3A_13 = arith.constant 320 : i32
    %mul3A_14 = arith.muli %add3A, %mul3A_13 : i32
    %mul3A_15 = arith.constant 16 : i32
    %mul3A_16 = arith.muli %mul3A_14, %mul3A_15 : i32
    "tpu.region"() ({
      %run_scoped3A = tpu.sem_alloc : memref<!tpu.dma_semaphore, #tpu.memory_space<semaphore_mem>>
      %dma_start3A_24 = tpu.memref_slice %arg5[%mul3A_16] : memref<163840xi32, #tpu.memory_space<hbm>> -> memref<5120xi32, #tpu.memory_space<hbm>>
      %dma_start3A_25 = tpu.memref_slice %arg5[%mul3A_16] : memref<163840xi32, #tpu.memory_space<hbm>> -> memref<5120xi32, #tpu.memory_space<hbm>>
      tpu.enqueue_dma source(%dma_start3A_25 : memref<5120xi32, #tpu.memory_space<hbm>>) target(%arg15 : memref<5120xi32, #tpu.memory_space<vmem>>) target_semaphore(%run_scoped3A : memref<!tpu.dma_semaphore, #tpu.memory_space<semaphore_mem>>)
      %dma_wait3A_26 = tpu.memref_slice %arg5[%mul3A_16] : memref<163840xi32, #tpu.memory_space<hbm>> -> memref<5120xi32, #tpu.memory_space<hbm>>
      %dma_wait3A_27 = tpu.memref_slice %arg5[%mul3A_16] : memref<163840xi32, #tpu.memory_space<hbm>> -> memref<5120xi32, #tpu.memory_space<hbm>>
      tpu.wait_dma2 semaphore(%run_scoped3A : memref<!tpu.dma_semaphore, #tpu.memory_space<semaphore_mem>>) src(%dma_wait3A_27 : memref<5120xi32, #tpu.memory_space<hbm>>) dst(%arg15 : memref<5120xi32, #tpu.memory_space<vmem>>)
      tpu.yield
    }) : () -> ()
    %scan3A = arith.constant 0 : i32
    %scan3A_17 = arith.constant 0 : i32
    %scan3A_18 = arith.constant 320 : i32
    %scan3A_19 = arith.addi %scan3A_17, %scan3A_18 : i32
    %scan3A_20 = arith.constant 1 : i32
    scf.for %scan3A_24 = %scan3A_17 to %scan3A_19 step %scan3A_20  : i32 {
      %mul3A_25 = arith.constant 16 : i32
      %mul3A_26 = arith.muli %scan3A_24, %mul3A_25 : i32
      %get3A = arith.index_cast %mul3A_26 : i32 to index
      %get3A_27 = tpu.vector_load %arg15[%get3A] {strides = array<i32>} : memref<5120xi32, #tpu.memory_space<vmem>>, vector<16xi32>,
      %add3A_28 = arith.addi %mul3A_14, %scan3A_24 : i32
      %broadcast_in_dim3A = vector.broadcast %add3A_28 : i32 to vector<16xi32>
      %broadcast_in_dim3A_29 = arith.constant 0.000000e+00 : f32
      %broadcast_in_dim3A_30 = vector.broadcast %broadcast_in_dim3A_29 : f32 to vector<16xf32>
      %gather3A = tpu.vector_load_idx %arg12[%get3A_27] : memref<10240xf32, #tpu.memory_space<vmem>>[vector<16xi32>], vector<16xf32>,
      %gather3A_31 = tpu.vector_load_idx %arg12[%broadcast_in_dim3A] : memref<10240xf32, #tpu.memory_space<vmem>>[vector<16xi32>], vector<16xf32>,
      %sub3A = arith.subf %gather3A_31, %gather3A : vector<16xf32>
      %abs3A = math.absf %sub3A : vector<16xf32>
      %sub3A_32 = arith.constant 6.28318548 : f32
      %sub3A_33 = vector.broadcast %sub3A_32 : f32 to vector<16xf32>
      %sub3A_34 = arith.subf %sub3A_33, %abs3A : vector<16xf32>
      %min3A = arith.minimumf %abs3A, %sub3A_34 : vector<16xf32>
      %mul3A_35 = arith.mulf %min3A, %min3A : vector<16xf32>
      %add3A_36 = arith.addf %broadcast_in_dim3A_30, %mul3A_35 : vector<16xf32>
      %gather3A_37 = tpu.vector_load_idx %arg13[%get3A_27] : memref<10240xf32, #tpu.memory_space<vmem>>[vector<16xi32>], vector<16xf32>,
      %gather3A_38 = tpu.vector_load_idx %arg13[%broadcast_in_dim3A] : memref<10240xf32, #tpu.memory_space<vmem>>[vector<16xi32>], vector<16xf32>,
      %sub3A_39 = arith.subf %gather3A_38, %gather3A_37 : vector<16xf32>
      %abs3A_40 = math.absf %sub3A_39 : vector<16xf32>
      %sub3A_41 = arith.constant 6.28318548 : f32
      %sub3A_42 = vector.broadcast %sub3A_41 : f32 to vector<16xf32>
      %sub3A_43 = arith.subf %sub3A_42, %abs3A_40 : vector<16xf32>
      %min3A_44 = arith.minimumf %abs3A_40, %sub3A_43 : vector<16xf32>
      %mul3A_45 = arith.mulf %min3A_44, %min3A_44 : vector<16xf32>
      %add3A_46 = arith.addf %add3A_36, %mul3A_45 : vector<16xf32>
      %gather3A_47 = tpu.vector_load_idx %arg14[%get3A_27] : memref<10240xf32, #tpu.memory_space<vmem>>[vector<16xi32>], vector<16xf32>,
      %gather3A_48 = tpu.vector_load_idx %arg14[%broadcast_in_dim3A] : memref<10240xf32, #tpu.memory_space<vmem>>[vector<16xi32>], vector<16xf32>,
      %sub3A_49 = arith.subf %gather3A_48, %gather3A_47 : vector<16xf32>
      %abs3A_50 = math.absf %sub3A_49 : vector<16xf32>
      %sub3A_51 = arith.constant 6.28318548 : f32
      %sub3A_52 = vector.broadcast %sub3A_51 : f32 to vector<16xf32>
      %sub3A_53 = arith.subf %sub3A_52, %abs3A_50 : vector<16xf32>
      %min3A_54 = arith.minimumf %abs3A_50, %sub3A_53 : vector<16xf32>
      %mul3A_55 = arith.mulf %min3A_54, %min3A_54 : vector<16xf32>
      %add3A_56 = arith.addf %add3A_46, %mul3A_55 : vector<16xf32>
      %mul3A_57 = arith.constant 16 : i32
      %mul3A_58 = arith.muli %scan3A_24, %mul3A_57 : i32
      %swap3A = arith.index_cast %mul3A_58 : i32 to index
      %swap3A_59 = tpu.vector_load %arg16[%swap3A] {strides = array<i32>} : memref<5120xf32, #tpu.memory_space<vmem>>, vector<16xf32>,
      tpu.vector_store %arg16[%swap3A], %add3A_56 {strides = array<i32>} : memref<5120xf32, #tpu.memory_space<vmem>>, vector<16xf32>,
    }
    %scan3A_21 = arith.constant 320 : i32
    %mul3A_22 = arith.constant 16 : i32
    %mul3A_23 = arith.muli %mul3A_14, %mul3A_22 : i32
    "tpu.region"() ({
      %run_scoped3A = tpu.sem_alloc : memref<!tpu.dma_semaphore, #tpu.memory_space<semaphore_mem>>
      %dma_start3A_24 = tpu.memref_slice %arg9[%mul3A_23] : memref<163840xf32, #tpu.memory_space<hbm>> -> memref<5120xf32, #tpu.memory_space<hbm>>
      %dma_start3A_25 = tpu.memref_slice %arg9[%mul3A_23] : memref<163840xf32, #tpu.memory_space<hbm>> -> memref<5120xf32, #tpu.memory_space<hbm>>
      tpu.enqueue_dma source(%arg16 : memref<5120xf32, #tpu.memory_space<vmem>>) target(%dma_start3A_25 : memref<5120xf32, #tpu.memory_space<hbm>>) target_semaphore(%run_scoped3A : memref<!tpu.dma_semaphore, #tpu.memory_space<semaphore_mem>>)
      %dma_wait3A_26 = tpu.memref_slice %arg9[%mul3A_23] : memref<163840xf32, #tpu.memory_space<hbm>> -> memref<5120xf32, #tpu.memory_space<hbm>>
      %dma_wait3A_27 = tpu.memref_slice %arg9[%mul3A_23] : memref<163840xf32, #tpu.memory_space<hbm>> -> memref<5120xf32, #tpu.memory_space<hbm>>
      tpu.wait_dma2 semaphore(%run_scoped3A : memref<!tpu.dma_semaphore, #tpu.memory_space<semaphore_mem>>) src(%arg16 : memref<5120xf32, #tpu.memory_space<vmem>>) dst(%dma_wait3A_27 : memref<5120xf32, #tpu.memory_space<hbm>>)
      tpu.yield
    }) : () -> ()
    return
  }
}

module attributes {stable_mosaic.version = 14 : i64} {
  func.func @_tc_a_body(%arg0: i32, %arg1: memref<1x2xf32, #tpu.memory_space<vmem>>, %arg2: memref<256x16xf32, #tpu.memory_space<vmem>>, %arg3: memref<1x20xf32, #tpu.memory_space<vmem>>, %arg4: memref<1x20xf32, #tpu.memory_space<vmem>>, %arg5: memref<20x100xf32, #tpu.memory_space<vmem>>, %arg6: memref<1x100xf32, #tpu.memory_space<vmem>>, %arg7: memref<100x20xf32, #tpu.memory_space<vmem>>, %arg8: memref<1x20xf32, #tpu.memory_space<vmem>>, %arg9: memref<20x1xf32, #tpu.memory_space<vmem>>, %arg10: memref<1x1xf32, #tpu.memory_space<vmem>>, %arg11: memref<256x1xf32, #tpu.memory_space<vmem>>) attributes {dimension_semantics = [#tpu.dimension_semantics<arbitrary>], iteration_bounds = array<i64: 40>, scalar_prefetch = 0 : i64, scratch_operands = 0 : i64, tpu.core_type = #tpu.core_type<tc>, window_params = [{pipeline_mode = #tpu.pipeline_mode<synchronous>, transform_indices = @transform_0, window_bounds = array<i64: 1, 2>}, {transform_indices = @transform_1, window_bounds = array<i64: 256, 16>}, {pipeline_mode = #tpu.pipeline_mode<synchronous>, transform_indices = @transform_2, window_bounds = array<i64: 1, 20>}, {pipeline_mode = #tpu.pipeline_mode<synchronous>, transform_indices = @transform_3, window_bounds = array<i64: 1, 20>}, {pipeline_mode = #tpu.pipeline_mode<synchronous>, transform_indices = @transform_4, window_bounds = array<i64: 20, 100>}, {pipeline_mode = #tpu.pipeline_mode<synchronous>, transform_indices = @transform_5, window_bounds = array<i64: 1, 100>}, {pipeline_mode = #tpu.pipeline_mode<synchronous>, transform_indices = @transform_6, window_bounds = array<i64: 100, 20>}, {pipeline_mode = #tpu.pipeline_mode<synchronous>, transform_indices = @transform_7, window_bounds = array<i64: 1, 20>}, {pipeline_mode = #tpu.pipeline_mode<synchronous>, transform_indices = @transform_8, window_bounds = array<i64: 20, 1>}, {pipeline_mode = #tpu.pipeline_mode<synchronous>, transform_indices = @transform_9, window_bounds = array<i64: 1, 1>}, {transform_indices = @transform_10, window_bounds = array<i64: 256, 1>}]} {
    %get3A = arith.constant 0 : index
    %get3A_0 = arith.constant 0 : index
    %get3A_1 = vector.load %arg2[%get3A, %get3A_0] : memref<256x16xf32, #tpu.memory_space<vmem>>, vector<256x16xf32>
    %broadcast_in_dim3A = vector.shape_cast %get3A_1 : vector<256x16xf32> to vector<256x1x16xf32>
    %broadcast_in_dim3A_2 = vector.shape_cast %broadcast_in_dim3A : vector<256x1x16xf32> to vector<256x1x16xf32>
    %broadcast_in_dim3A_3 = vector.broadcast %broadcast_in_dim3A_2 : vector<256x1x16xf32> to vector<256x16x16xf32>
    %reshape3A = vector.shape_cast %broadcast_in_dim3A_3 : vector<256x16x16xf32> to vector<4096x16xf32>
    %iota3A = tpu.iota {dimensions = array<i32: 1>} : vector<4096x16xi32>
    %iota3A_4 = tpu.iota {dimensions = array<i32: 0>} : vector<4096x16xi32>
    %jit3A = arith.constant 16 : i32
    %eq3A = arith.constant 0 : i32
    %eq3A_5 = arith.cmpi eq, %jit3A, %eq3A : i32
    %jit3A_6 = arith.constant 1 : i32
    %select_n3A = arith.select %eq3A_5, %jit3A_6, %jit3A : i32
    %rem3A = vector.broadcast %select_n3A : i32 to vector<4096x16xi32>
    %rem3A_7 = arith.remsi %iota3A_4, %rem3A : vector<4096x16xi32>
    %ne3A = arith.constant 0 : i32
    %ne3A_8 = vector.broadcast %ne3A : i32 to vector<4096x16xi32>
    %ne3A_9 = arith.cmpi ne, %rem3A_7, %ne3A_8 : vector<4096x16xi32>
    %lt3A = arith.constant 0 : i32
    %lt3A_10 = vector.broadcast %lt3A : i32 to vector<4096x16xi32>
    %lt3A_11 = arith.cmpi slt, %rem3A_7, %lt3A_10 : vector<4096x16xi32>
    %lt3A_12 = arith.constant 0 : i32
    %lt3A_13 = arith.cmpi slt, %select_n3A, %lt3A_12 : i32
    %ne3A_14 = vector.broadcast %lt3A_13 : i1 to vector<4096x16xi1>
    %ne3A_15 = vector.broadcast %ne3A_14 : vector<4096x16xi1> to vector<4096x16xi1>
    %ne3A_16 = arith.xori %lt3A_11, %ne3A_15 : vector<4096x16xi1>
    %and3A = arith.andi %ne3A_16, %ne3A_9 : vector<4096x16xi1>
    %add3A = vector.broadcast %select_n3A : i32 to vector<4096x16xi32>
    %add3A_17 = arith.addi %rem3A_7, %add3A : vector<4096x16xi32>
    %select_n3A_18 = arith.select %and3A, %add3A_17, %rem3A_7 : vector<4096x16xi1>, vector<4096x16xi32>
    %eq3A_19 = arith.cmpi eq, %iota3A, %select_n3A_18 : vector<4096x16xi32>
    %jit3A_20 = arith.constant 0.000000e+00 : f32
    %broadcast_in_dim3A_21 = vector.broadcast %jit3A_20 : f32 to vector<4096x16xf32>
    %select_n3A_22 = arith.select %eq3A_19, %reshape3A, %broadcast_in_dim3A_21 : vector<4096x16xi1>, vector<4096x16xf32>
    %reduce_sum3A = arith.constant dense<0.000000e+00> : vector<4096xf32>
    %reduce_sum3A_23 = vector.multi_reduction <add>, %select_n3A_22, %reduce_sum3A [1] : vector<4096x16xf32> to vector<4096xf32>
    %broadcast_in_dim3A_24 = vector.shape_cast %reduce_sum3A_23 : vector<4096xf32> to vector<4096x1xf32>
    %get3A_25 = arith.constant 0 : index
    %get3A_26 = arith.constant 0 : index
    %get3A_27 = vector.load %arg1[%get3A_25, %get3A_26] : memref<1x2xf32, #tpu.memory_space<vmem>>, vector<1x1xf32>
    %get3A_28 = vector.extract %get3A_27[0, 0] : f32 from vector<1x1xf32>
    %get3A_29 = arith.constant 0 : index
    %get3A_30 = arith.constant 1 : index
    %get3A_31 = vector.load %arg1[%get3A_29, %get3A_30] : memref<1x2xf32, #tpu.memory_space<vmem>>, vector<1x1xf32>
    %get3A_32 = vector.extract %get3A_31[0, 0] : f32 from vector<1x1xf32>
    %sqrt3A = math.sqrt %broadcast_in_dim3A_24 : vector<4096x1xf32>
    %div3A = vector.broadcast %get3A_28 : f32 to vector<4096x1xf32>
    %div3A_33 = arith.divf %sqrt3A, %div3A : vector<4096x1xf32>
    %get3A_34 = arith.constant 0 : index
    %get3A_35 = arith.constant 0 : index
    %get3A_36 = vector.load %arg3[%get3A_34, %get3A_35] : memref<1x20xf32, #tpu.memory_space<vmem>>, vector<1x20xf32>
    %get3A_37 = arith.constant 0 : index
    %get3A_38 = arith.constant 0 : index
    %get3A_39 = vector.load %arg4[%get3A_37, %get3A_38] : memref<1x20xf32, #tpu.memory_space<vmem>>, vector<1x20xf32>
    %get3A_40 = arith.constant 0 : index
    %get3A_41 = arith.constant 0 : index
    %get3A_42 = vector.load %arg5[%get3A_40, %get3A_41] : memref<20x100xf32, #tpu.memory_space<vmem>>, vector<20x100xf32>
    %get3A_43 = arith.constant 0 : index
    %get3A_44 = arith.constant 0 : index
    %get3A_45 = vector.load %arg6[%get3A_43, %get3A_44] : memref<1x100xf32, #tpu.memory_space<vmem>>, vector<1x100xf32>
    %get3A_46 = arith.constant 0 : index
    %get3A_47 = arith.constant 0 : index
    %get3A_48 = vector.load %arg7[%get3A_46, %get3A_47] : memref<100x20xf32, #tpu.memory_space<vmem>>, vector<100x20xf32>
    %get3A_49 = arith.constant 0 : index
    %get3A_50 = arith.constant 0 : index
    %get3A_51 = vector.load %arg8[%get3A_49, %get3A_50] : memref<1x20xf32, #tpu.memory_space<vmem>>, vector<1x20xf32>
    %get3A_52 = arith.constant 0 : index
    %get3A_53 = arith.constant 0 : index
    %get3A_54 = vector.load %arg9[%get3A_52, %get3A_53] : memref<20x1xf32, #tpu.memory_space<vmem>>, vector<20x1xf32>
    %get3A_55 = arith.constant 0 : index
    %get3A_56 = arith.constant 0 : index
    %get3A_57 = vector.load %arg10[%get3A_55, %get3A_56] : memref<1x1xf32, #tpu.memory_space<vmem>>, vector<1x1xf32>
    %mul3A = vector.broadcast %div3A_33 : vector<4096x1xf32> to vector<4096x20xf32>
    %mul3A_58 = vector.broadcast %get3A_36 : vector<1x20xf32> to vector<4096x20xf32>
    %mul3A_59 = arith.mulf %mul3A, %mul3A_58 : vector<4096x20xf32>
    %add3A_60 = vector.broadcast %get3A_39 : vector<1x20xf32> to vector<4096x20xf32>
    %add3A_61 = arith.addf %mul3A_59, %add3A_60 : vector<4096x20xf32>
    %tanh3A = math.tanh %add3A_61 : vector<4096x20xf32>
    %dot_general3A = arith.constant dense<0.000000e+00> : vector<4096x100xf32>
    %dot_general3A_62 = tpu.matmul %tanh3A, %get3A_42, %dot_general3A {dimension_numbers = #tpu.dot_dimension_numbers<[1], [0], [0], [1], [0, 0, 1, 1], [], []>, transpose_lhs_hint = false} : vector<4096x20xf32>, vector<20x100xf32>, vector<4096x100xf32> -> vector<4096x100xf32>
    %add3A_63 = vector.broadcast %get3A_45 : vector<1x100xf32> to vector<4096x100xf32>
    %add3A_64 = arith.addf %dot_general3A_62, %add3A_63 : vector<4096x100xf32>
    %tanh3A_65 = math.tanh %add3A_64 : vector<4096x100xf32>
    %dot_general3A_66 = arith.constant dense<0.000000e+00> : vector<4096x20xf32>
    %dot_general3A_67 = tpu.matmul %tanh3A_65, %get3A_48, %dot_general3A_66 {dimension_numbers = #tpu.dot_dimension_numbers<[1], [0], [0], [1], [0, 0, 1, 1], [], []>, transpose_lhs_hint = false} : vector<4096x100xf32>, vector<100x20xf32>, vector<4096x20xf32> -> vector<4096x20xf32>
    %add3A_68 = vector.broadcast %get3A_51 : vector<1x20xf32> to vector<4096x20xf32>
    %add3A_69 = arith.addf %dot_general3A_67, %add3A_68 : vector<4096x20xf32>
    %tanh3A_70 = math.tanh %add3A_69 : vector<4096x20xf32>
    %dot_general3A_71 = arith.constant dense<0.000000e+00> : vector<4096x1xf32>
    %dot_general3A_72 = tpu.matmul %tanh3A_70, %get3A_54, %dot_general3A_71 {dimension_numbers = #tpu.dot_dimension_numbers<[1], [0], [0], [1], [0, 0, 1, 1], [], []>, transpose_lhs_hint = false} : vector<4096x20xf32>, vector<20x1xf32>, vector<4096x1xf32> -> vector<4096x1xf32>
    %add3A_73 = vector.broadcast %get3A_57 : vector<1x1xf32> to vector<4096x1xf32>
    %add3A_74 = arith.addf %dot_general3A_72, %add3A_73 : vector<4096x1xf32>
    %sub3A = arith.constant 1.000000e+00 : f32
    %sub3A_75 = vector.broadcast %sub3A : f32 to vector<4096x1xf32>
    %sub3A_76 = arith.subf %sub3A_75, %div3A_33 : vector<4096x1xf32>
    %mul3A_77 = arith.constant 1.000000e+01 : f32
    %mul3A_78 = vector.broadcast %mul3A_77 : f32 to vector<4096x1xf32>
    %mul3A_79 = arith.mulf %mul3A_78, %sub3A_76 : vector<4096x1xf32>
    %logistic3A = arith.negf %mul3A_79 : vector<4096x1xf32>
    %logistic3A_80 = math.exp %logistic3A : vector<4096x1xf32>
    %logistic3A_81 = arith.constant 1.000000e+00 : f32
    %logistic3A_82 = vector.broadcast %logistic3A_81 : f32 to vector<4096x1xf32>
    %logistic3A_83 = arith.addf %logistic3A_82, %logistic3A_80 : vector<4096x1xf32>
    %logistic3A_84 = arith.divf %logistic3A_82, %logistic3A_83 : vector<4096x1xf32>
    %mul3A_85 = arith.mulf %add3A_74, %logistic3A_84 : vector<4096x1xf32>
    %mul3A_86 = vector.broadcast %get3A_32 : f32 to vector<4096x1xf32>
    %mul3A_87 = arith.mulf %mul3A_85, %mul3A_86 : vector<4096x1xf32>
    %broadcast_in_dim3A_88 = arith.constant 0.000000e+00 : f32
    %broadcast_in_dim3A_89 = vector.broadcast %broadcast_in_dim3A_88 : f32 to vector<256x1xf32>
    %mul3A_90 = vector.broadcast %broadcast_in_dim3A_89 : vector<256x1xf32> to vector<256x20xf32>
    %mul3A_91 = vector.broadcast %get3A_36 : vector<1x20xf32> to vector<256x20xf32>
    %mul3A_92 = arith.mulf %mul3A_90, %mul3A_91 : vector<256x20xf32>
    %add3A_93 = vector.broadcast %get3A_39 : vector<1x20xf32> to vector<256x20xf32>
    %add3A_94 = arith.addf %mul3A_92, %add3A_93 : vector<256x20xf32>
    %tanh3A_95 = math.tanh %add3A_94 : vector<256x20xf32>
    %dot_general3A_96 = arith.constant dense<0.000000e+00> : vector<256x100xf32>
    %dot_general3A_97 = tpu.matmul %tanh3A_95, %get3A_42, %dot_general3A_96 {dimension_numbers = #tpu.dot_dimension_numbers<[1], [0], [0], [1], [0, 0, 1, 1], [], []>, transpose_lhs_hint = false} : vector<256x20xf32>, vector<20x100xf32>, vector<256x100xf32> -> vector<256x100xf32>
    %add3A_98 = vector.broadcast %get3A_45 : vector<1x100xf32> to vector<256x100xf32>
    %add3A_99 = arith.addf %dot_general3A_97, %add3A_98 : vector<256x100xf32>
    %tanh3A_100 = math.tanh %add3A_99 : vector<256x100xf32>
    %dot_general3A_101 = arith.constant dense<0.000000e+00> : vector<256x20xf32>
    %dot_general3A_102 = tpu.matmul %tanh3A_100, %get3A_48, %dot_general3A_101 {dimension_numbers = #tpu.dot_dimension_numbers<[1], [0], [0], [1], [0, 0, 1, 1], [], []>, transpose_lhs_hint = false} : vector<256x100xf32>, vector<100x20xf32>, vector<256x20xf32> -> vector<256x20xf32>
    %add3A_103 = vector.broadcast %get3A_51 : vector<1x20xf32> to vector<256x20xf32>
    %add3A_104 = arith.addf %dot_general3A_102, %add3A_103 : vector<256x20xf32>
    %tanh3A_105 = math.tanh %add3A_104 : vector<256x20xf32>
    %dot_general3A_106 = arith.constant dense<0.000000e+00> : vector<256x1xf32>
    %dot_general3A_107 = tpu.matmul %tanh3A_105, %get3A_54, %dot_general3A_106 {dimension_numbers = #tpu.dot_dimension_numbers<[1], [0], [0], [1], [0, 0, 1, 1], [], []>, transpose_lhs_hint = false} : vector<256x20xf32>, vector<20x1xf32>, vector<256x1xf32> -> vector<256x1xf32>
    %add3A_108 = vector.broadcast %get3A_57 : vector<1x1xf32> to vector<256x1xf32>
    %add3A_109 = arith.addf %dot_general3A_107, %add3A_108 : vector<256x1xf32>
    %sub3A_110 = arith.constant 1.000000e+00 : f32
    %sub3A_111 = vector.broadcast %sub3A_110 : f32 to vector<256x1xf32>
    %sub3A_112 = arith.subf %sub3A_111, %broadcast_in_dim3A_89 : vector<256x1xf32>
    %mul3A_113 = arith.constant 1.000000e+01 : f32
    %mul3A_114 = vector.broadcast %mul3A_113 : f32 to vector<256x1xf32>
    %mul3A_115 = arith.mulf %mul3A_114, %sub3A_112 : vector<256x1xf32>
    %logistic3A_116 = arith.negf %mul3A_115 : vector<256x1xf32>
    %logistic3A_117 = math.exp %logistic3A_116 : vector<256x1xf32>
    %logistic3A_118 = arith.constant 1.000000e+00 : f32
    %logistic3A_119 = vector.broadcast %logistic3A_118 : f32 to vector<256x1xf32>
    %logistic3A_120 = arith.addf %logistic3A_119, %logistic3A_117 : vector<256x1xf32>
    %logistic3A_121 = arith.divf %logistic3A_119, %logistic3A_120 : vector<256x1xf32>
    %mul3A_122 = arith.mulf %add3A_109, %logistic3A_121 : vector<256x1xf32>
    %mul3A_123 = vector.broadcast %get3A_32 : f32 to vector<256x1xf32>
    %mul3A_124 = arith.mulf %mul3A_122, %mul3A_123 : vector<256x1xf32>
    %reshape3A_125 = vector.shape_cast %mul3A_87 : vector<4096x1xf32> to vector<256x16x1xf32>
    %reduce_sum3A_126 = arith.constant dense<0.000000e+00> : vector<256x1xf32>
    %reduce_sum3A_127 = vector.multi_reduction <add>, %reshape3A_125, %reduce_sum3A_126 [1] : vector<256x16x1xf32> to vector<256x1xf32>
    %add3A_128 = arith.addf %mul3A_124, %reduce_sum3A_127 : vector<256x1xf32>
    %swap3A = arith.constant 0 : index
    %swap3A_129 = arith.constant 0 : index
    %swap3A_130 = vector.load %arg11[%swap3A, %swap3A_129] : memref<256x1xf32, #tpu.memory_space<vmem>>, vector<256x1xf32>
    tpu.vector_store %arg11[%swap3A, %swap3A_129], %add3A_128 {strides = array<i32>} : memref<256x1xf32, #tpu.memory_space<vmem>>, vector<256x1xf32>,
    return
  }
  func.func @transform_0(%arg0: i32) -> (i32, i32) {
    %c0_i32 = arith.constant 0 : i32
    %c0_i32_0 = arith.constant 0 : i32
    %c0_i32_1 = arith.constant 0 : i32
    return %c0_i32, %c0_i32_0 : i32, i32
  }
  func.func @transform_1(%arg0: i32) -> (i32, i32) {
    %c0_i32 = arith.constant 0 : i32
    %c0_i32_0 = arith.constant 0 : i32
    return %arg0, %c0_i32 : i32, i32
  }
  func.func @transform_2(%arg0: i32) -> (i32, i32) {
    %c0_i32 = arith.constant 0 : i32
    %c0_i32_0 = arith.constant 0 : i32
    %c0_i32_1 = arith.constant 0 : i32
    return %c0_i32, %c0_i32_0 : i32, i32
  }
  func.func @transform_3(%arg0: i32) -> (i32, i32) {
    %c0_i32 = arith.constant 0 : i32
    %c0_i32_0 = arith.constant 0 : i32
    %c0_i32_1 = arith.constant 0 : i32
    return %c0_i32, %c0_i32_0 : i32, i32
  }
  func.func @transform_4(%arg0: i32) -> (i32, i32) {
    %c0_i32 = arith.constant 0 : i32
    %c0_i32_0 = arith.constant 0 : i32
    %c0_i32_1 = arith.constant 0 : i32
    return %c0_i32, %c0_i32_0 : i32, i32
  }
  func.func @transform_5(%arg0: i32) -> (i32, i32) {
    %c0_i32 = arith.constant 0 : i32
    %c0_i32_0 = arith.constant 0 : i32
    %c0_i32_1 = arith.constant 0 : i32
    return %c0_i32, %c0_i32_0 : i32, i32
  }
  func.func @transform_6(%arg0: i32) -> (i32, i32) {
    %c0_i32 = arith.constant 0 : i32
    %c0_i32_0 = arith.constant 0 : i32
    %c0_i32_1 = arith.constant 0 : i32
    return %c0_i32, %c0_i32_0 : i32, i32
  }
  func.func @transform_7(%arg0: i32) -> (i32, i32) {
    %c0_i32 = arith.constant 0 : i32
    %c0_i32_0 = arith.constant 0 : i32
    %c0_i32_1 = arith.constant 0 : i32
    return %c0_i32, %c0_i32_0 : i32, i32
  }
  func.func @transform_8(%arg0: i32) -> (i32, i32) {
    %c0_i32 = arith.constant 0 : i32
    %c0_i32_0 = arith.constant 0 : i32
    %c0_i32_1 = arith.constant 0 : i32
    return %c0_i32, %c0_i32_0 : i32, i32
  }
  func.func @transform_9(%arg0: i32) -> (i32, i32) {
    %c0_i32 = arith.constant 0 : i32
    %c0_i32_0 = arith.constant 0 : i32
    %c0_i32_1 = arith.constant 0 : i32
    return %c0_i32, %c0_i32_0 : i32, i32
  }
  func.func @transform_10(%arg0: i32) -> (i32, i32) {
    %c0_i32 = arith.constant 0 : i32
    %c0_i32_0 = arith.constant 0 : i32
    return %arg0, %c0_i32 : i32, i32
  }
}

module attributes {stable_mosaic.version = 14 : i64} {
  func.func @_tc_b_body(%arg0: i32, %arg1: memref<1x2xf32, #tpu.memory_space<vmem>>, %arg2: memref<4096x16xf32, #tpu.memory_space<vmem>>, %arg3: memref<256x16xf32, #tpu.memory_space<vmem>>, %arg4: memref<1x20xf32, #tpu.memory_space<vmem>>, %arg5: memref<1x20xf32, #tpu.memory_space<vmem>>, %arg6: memref<20x100xf32, #tpu.memory_space<vmem>>, %arg7: memref<1x100xf32, #tpu.memory_space<vmem>>, %arg8: memref<100x20xf32, #tpu.memory_space<vmem>>, %arg9: memref<1x20xf32, #tpu.memory_space<vmem>>, %arg10: memref<20x1xf32, #tpu.memory_space<vmem>>, %arg11: memref<1x1xf32, #tpu.memory_space<vmem>>, %arg12: memref<256x16xf32, #tpu.memory_space<vmem>>) attributes {dimension_semantics = [#tpu.dimension_semantics<arbitrary>], iteration_bounds = array<i64: 16>, scalar_prefetch = 0 : i64, scratch_operands = 0 : i64, tpu.core_type = #tpu.core_type<tc>, window_params = [{pipeline_mode = #tpu.pipeline_mode<synchronous>, transform_indices = @transform_0, window_bounds = array<i64: 1, 2>}, {transform_indices = @transform_1, window_bounds = array<i64: 4096, 16>}, {transform_indices = @transform_2, window_bounds = array<i64: 256, 16>}, {pipeline_mode = #tpu.pipeline_mode<synchronous>, transform_indices = @transform_3, window_bounds = array<i64: 1, 20>}, {pipeline_mode = #tpu.pipeline_mode<synchronous>, transform_indices = @transform_4, window_bounds = array<i64: 1, 20>}, {pipeline_mode = #tpu.pipeline_mode<synchronous>, transform_indices = @transform_5, window_bounds = array<i64: 20, 100>}, {pipeline_mode = #tpu.pipeline_mode<synchronous>, transform_indices = @transform_6, window_bounds = array<i64: 1, 100>}, {pipeline_mode = #tpu.pipeline_mode<synchronous>, transform_indices = @transform_7, window_bounds = array<i64: 100, 20>}, {pipeline_mode = #tpu.pipeline_mode<synchronous>, transform_indices = @transform_8, window_bounds = array<i64: 1, 20>}, {pipeline_mode = #tpu.pipeline_mode<synchronous>, transform_indices = @transform_9, window_bounds = array<i64: 20, 1>}, {pipeline_mode = #tpu.pipeline_mode<synchronous>, transform_indices = @transform_10, window_bounds = array<i64: 1, 1>}, {transform_indices = @transform_11, window_bounds = array<i64: 256, 16>}]} {
    %get3A = arith.constant 0 : index
    %get3A_0 = arith.constant 0 : index
    %get3A_1 = vector.load %arg2[%get3A, %get3A_0] : memref<4096x16xf32, #tpu.memory_space<vmem>>, vector<4096x16xf32>
    %get3A_2 = arith.constant 0 : index
    %get3A_3 = arith.constant 0 : index
    %get3A_4 = vector.load %arg3[%get3A_2, %get3A_3] : memref<256x16xf32, #tpu.memory_space<vmem>>, vector<256x16xf32>
    %broadcast_in_dim3A = vector.shape_cast %get3A_4 : vector<256x16xf32> to vector<256x1x16xf32>
    %broadcast_in_dim3A_5 = vector.shape_cast %broadcast_in_dim3A : vector<256x1x16xf32> to vector<256x1x16xf32>
    %broadcast_in_dim3A_6 = vector.broadcast %broadcast_in_dim3A_5 : vector<256x1x16xf32> to vector<256x16x16xf32>
    %reshape3A = vector.shape_cast %broadcast_in_dim3A_6 : vector<256x16x16xf32> to vector<4096x16xf32>
    %iota3A = tpu.iota {dimensions = array<i32: 1>} : vector<4096x16xi32>
    %ge3A = arith.constant 8 : i32
    %ge3A_7 = vector.broadcast %ge3A : i32 to vector<4096x16xi32>
    %ge3A_8 = arith.cmpi sge, %iota3A, %ge3A_7 : vector<4096x16xi32>
    %lt3A = arith.constant 11 : i32
    %lt3A_9 = vector.broadcast %lt3A : i32 to vector<4096x16xi32>
    %lt3A_10 = arith.cmpi slt, %iota3A, %lt3A_9 : vector<4096x16xi32>
    %and3A = arith.andi %ge3A_8, %lt3A_10 : vector<4096x16xi1>
    %sub3A = arith.subf %reshape3A, %get3A_1 : vector<4096x16xf32>
    %abs3A = math.absf %sub3A : vector<4096x16xf32>
    %gt3A = arith.constant 3.14159274 : f32
    %gt3A_11 = vector.broadcast %gt3A : f32 to vector<4096x16xf32>
    %gt3A_12 = arith.cmpf ogt, %sub3A, %gt3A_11 : vector<4096x16xf32>
    %lt3A_13 = arith.constant 0.000000e+00 : f32
    %lt3A_14 = vector.broadcast %lt3A_13 : f32 to vector<4096x16xf32>
    %lt3A_15 = arith.cmpf olt, %sub3A, %lt3A_14 : vector<4096x16xf32>
    %gt3A_16 = arith.constant -3.14159274 : f32
    %gt3A_17 = vector.broadcast %gt3A_16 : f32 to vector<4096x16xf32>
    %gt3A_18 = arith.cmpf ogt, %sub3A, %gt3A_17 : vector<4096x16xf32>
    %and3A_19 = arith.andi %lt3A_15, %gt3A_18 : vector<4096x16xi1>
    %or3A = arith.ori %gt3A_12, %and3A_19 : vector<4096x16xi1>
    %jit3A = arith.constant -1.000000e+00 : f32
    %jit3A_20 = arith.constant 1.000000e+00 : f32
    %broadcast_in_dim3A_21 = vector.broadcast %jit3A : f32 to vector<4096x16xf32>
    %broadcast_in_dim3A_22 = vector.broadcast %jit3A_20 : f32 to vector<4096x16xf32>
    %select_n3A = arith.select %or3A, %broadcast_in_dim3A_21, %broadcast_in_dim3A_22 : vector<4096x16xi1>, vector<4096x16xf32>
    %eq3A = arith.constant 3.14159274 : f32
    %eq3A_23 = vector.broadcast %eq3A : f32 to vector<4096x16xf32>
    %eq3A_24 = arith.cmpf oeq, %abs3A, %eq3A_23 : vector<4096x16xf32>
    %eq3A_25 = arith.constant 0.000000e+00 : f32
    %eq3A_26 = vector.broadcast %eq3A_25 : f32 to vector<4096x16xf32>
    %eq3A_27 = arith.cmpf oeq, %sub3A, %eq3A_26 : vector<4096x16xf32>
    %or3A_28 = arith.ori %eq3A_24, %eq3A_27 : vector<4096x16xi1>
    %jit3A_29 = arith.constant 0.000000e+00 : f32
    %broadcast_in_dim3A_30 = vector.broadcast %jit3A_29 : f32 to vector<4096x16xf32>
    %select_n3A_31 = arith.select %or3A_28, %broadcast_in_dim3A_30, %select_n3A : vector<4096x16xi1>, vector<4096x16xf32>
    %sub3A_32 = arith.constant 6.28318548 : f32
    %sub3A_33 = vector.broadcast %sub3A_32 : f32 to vector<4096x16xf32>
    %sub3A_34 = arith.subf %sub3A_33, %abs3A : vector<4096x16xf32>
    %min3A = arith.minimumf %abs3A, %sub3A_34 : vector<4096x16xf32>
    %mul3A = arith.mulf %select_n3A_31, %min3A : vector<4096x16xf32>
    %jit3A_35 = arith.constant 0.000000e+00 : f32
    %broadcast_in_dim3A_36 = vector.broadcast %jit3A_35 : f32 to vector<4096x16xf32>
    %select_n3A_37 = arith.select %and3A, %mul3A, %broadcast_in_dim3A_36 : vector<4096x16xi1>, vector<4096x16xf32>
    %eq3A_38 = arith.constant 8 : i32
    %eq3A_39 = vector.broadcast %eq3A_38 : i32 to vector<4096x16xi32>
    %eq3A_40 = arith.cmpi eq, %iota3A, %eq3A_39 : vector<4096x16xi32>
    %jit3A_41 = arith.constant 0.000000e+00 : f32
    %broadcast_in_dim3A_42 = vector.broadcast %jit3A_41 : f32 to vector<4096x16xf32>
    %select_n3A_43 = arith.select %eq3A_40, %select_n3A_37, %broadcast_in_dim3A_42 : vector<4096x16xi1>, vector<4096x16xf32>
    %reduce_sum3A = arith.constant dense<0.000000e+00> : vector<4096xf32>
    %reduce_sum3A_44 = vector.multi_reduction <add>, %select_n3A_43, %reduce_sum3A [1] : vector<4096x16xf32> to vector<4096xf32>
    %broadcast_in_dim3A_45 = vector.shape_cast %reduce_sum3A_44 : vector<4096xf32> to vector<4096x1xf32>
    %eq3A_46 = arith.constant 9 : i32
    %eq3A_47 = vector.broadcast %eq3A_46 : i32 to vector<4096x16xi32>
    %eq3A_48 = arith.cmpi eq, %iota3A, %eq3A_47 : vector<4096x16xi32>
    %jit3A_49 = arith.constant 0.000000e+00 : f32
    %broadcast_in_dim3A_50 = vector.broadcast %jit3A_49 : f32 to vector<4096x16xf32>
    %select_n3A_51 = arith.select %eq3A_48, %select_n3A_37, %broadcast_in_dim3A_50 : vector<4096x16xi1>, vector<4096x16xf32>
    %reduce_sum3A_52 = arith.constant dense<0.000000e+00> : vector<4096xf32>
    %reduce_sum3A_53 = vector.multi_reduction <add>, %select_n3A_51, %reduce_sum3A_52 [1] : vector<4096x16xf32> to vector<4096xf32>
    %broadcast_in_dim3A_54 = vector.shape_cast %reduce_sum3A_53 : vector<4096xf32> to vector<4096x1xf32>
    %eq3A_55 = arith.constant 10 : i32
    %eq3A_56 = vector.broadcast %eq3A_55 : i32 to vector<4096x16xi32>
    %eq3A_57 = arith.cmpi eq, %iota3A, %eq3A_56 : vector<4096x16xi32>
    %jit3A_58 = arith.constant 0.000000e+00 : f32
    %broadcast_in_dim3A_59 = vector.broadcast %jit3A_58 : f32 to vector<4096x16xf32>
    %select_n3A_60 = arith.select %eq3A_57, %select_n3A_37, %broadcast_in_dim3A_59 : vector<4096x16xi1>, vector<4096x16xf32>
    %reduce_sum3A_61 = arith.constant dense<0.000000e+00> : vector<4096xf32>
    %reduce_sum3A_62 = vector.multi_reduction <add>, %select_n3A_60, %reduce_sum3A_61 [1] : vector<4096x16xf32> to vector<4096xf32>
    %broadcast_in_dim3A_63 = vector.shape_cast %reduce_sum3A_62 : vector<4096xf32> to vector<4096x1xf32>
    %mul3A_64 = arith.mulf %broadcast_in_dim3A_45, %broadcast_in_dim3A_45 : vector<4096x1xf32>
    %mul3A_65 = arith.mulf %broadcast_in_dim3A_54, %broadcast_in_dim3A_54 : vector<4096x1xf32>
    %add3A = arith.addf %mul3A_64, %mul3A_65 : vector<4096x1xf32>
    %mul3A_66 = arith.mulf %broadcast_in_dim3A_63, %broadcast_in_dim3A_63 : vector<4096x1xf32>
    %add3A_67 = arith.addf %add3A, %mul3A_66 : vector<4096x1xf32>
    %sqrt3A = math.sqrt %add3A_67 : vector<4096x1xf32>
    %get3A_68 = arith.constant 0 : index
    %get3A_69 = arith.constant 0 : index
    %get3A_70 = vector.load %arg1[%get3A_68, %get3A_69] : memref<1x2xf32, #tpu.memory_space<vmem>>, vector<1x1xf32>
    %get3A_71 = vector.extract %get3A_70[0, 0] : f32 from vector<1x1xf32>
    %get3A_72 = arith.constant 0 : index
    %get3A_73 = arith.constant 1 : index
    %get3A_74 = vector.load %arg1[%get3A_72, %get3A_73] : memref<1x2xf32, #tpu.memory_space<vmem>>, vector<1x1xf32>
    %get3A_75 = vector.extract %get3A_74[0, 0] : f32 from vector<1x1xf32>
    %div3A = vector.broadcast %get3A_71 : f32 to vector<4096x1xf32>
    %div3A_76 = arith.divf %sqrt3A, %div3A : vector<4096x1xf32>
    %get3A_77 = arith.constant 0 : index
    %get3A_78 = arith.constant 0 : index
    %get3A_79 = vector.load %arg4[%get3A_77, %get3A_78] : memref<1x20xf32, #tpu.memory_space<vmem>>, vector<1x20xf32>
    %get3A_80 = arith.constant 0 : index
    %get3A_81 = arith.constant 0 : index
    %get3A_82 = vector.load %arg5[%get3A_80, %get3A_81] : memref<1x20xf32, #tpu.memory_space<vmem>>, vector<1x20xf32>
    %get3A_83 = arith.constant 0 : index
    %get3A_84 = arith.constant 0 : index
    %get3A_85 = vector.load %arg6[%get3A_83, %get3A_84] : memref<20x100xf32, #tpu.memory_space<vmem>>, vector<20x100xf32>
    %get3A_86 = arith.constant 0 : index
    %get3A_87 = arith.constant 0 : index
    %get3A_88 = vector.load %arg7[%get3A_86, %get3A_87] : memref<1x100xf32, #tpu.memory_space<vmem>>, vector<1x100xf32>
    %get3A_89 = arith.constant 0 : index
    %get3A_90 = arith.constant 0 : index
    %get3A_91 = vector.load %arg8[%get3A_89, %get3A_90] : memref<100x20xf32, #tpu.memory_space<vmem>>, vector<100x20xf32>
    %get3A_92 = arith.constant 0 : index
    %get3A_93 = arith.constant 0 : index
    %get3A_94 = vector.load %arg9[%get3A_92, %get3A_93] : memref<1x20xf32, #tpu.memory_space<vmem>>, vector<1x20xf32>
    %get3A_95 = arith.constant 0 : index
    %get3A_96 = arith.constant 0 : index
    %get3A_97 = vector.load %arg10[%get3A_95, %get3A_96] : memref<20x1xf32, #tpu.memory_space<vmem>>, vector<20x1xf32>
    %get3A_98 = arith.constant 0 : index
    %get3A_99 = arith.constant 0 : index
    %get3A_100 = vector.load %arg11[%get3A_98, %get3A_99] : memref<1x1xf32, #tpu.memory_space<vmem>>, vector<1x1xf32>
    %mul3A_101 = vector.broadcast %div3A_76 : vector<4096x1xf32> to vector<4096x20xf32>
    %mul3A_102 = vector.broadcast %get3A_79 : vector<1x20xf32> to vector<4096x20xf32>
    %mul3A_103 = arith.mulf %mul3A_101, %mul3A_102 : vector<4096x20xf32>
    %add3A_104 = vector.broadcast %get3A_82 : vector<1x20xf32> to vector<4096x20xf32>
    %add3A_105 = arith.addf %mul3A_103, %add3A_104 : vector<4096x20xf32>
    %tanh3A = math.tanh %add3A_105 : vector<4096x20xf32>
    %dot_general3A = arith.constant dense<0.000000e+00> : vector<4096x100xf32>
    %dot_general3A_106 = tpu.matmul %tanh3A, %get3A_85, %dot_general3A {dimension_numbers = #tpu.dot_dimension_numbers<[1], [0], [0], [1], [0, 0, 1, 1], [], []>, transpose_lhs_hint = false} : vector<4096x20xf32>, vector<20x100xf32>, vector<4096x100xf32> -> vector<4096x100xf32>
    %add3A_107 = vector.broadcast %get3A_88 : vector<1x100xf32> to vector<4096x100xf32>
    %add3A_108 = arith.addf %dot_general3A_106, %add3A_107 : vector<4096x100xf32>
    %tanh3A_109 = math.tanh %add3A_108 : vector<4096x100xf32>
    %dot_general3A_110 = arith.constant dense<0.000000e+00> : vector<4096x20xf32>
    %dot_general3A_111 = tpu.matmul %tanh3A_109, %get3A_91, %dot_general3A_110 {dimension_numbers = #tpu.dot_dimension_numbers<[1], [0], [0], [1], [0, 0, 1, 1], [], []>, transpose_lhs_hint = false} : vector<4096x100xf32>, vector<100x20xf32>, vector<4096x20xf32> -> vector<4096x20xf32>
    %add3A_112 = vector.broadcast %get3A_94 : vector<1x20xf32> to vector<4096x20xf32>
    %add3A_113 = arith.addf %dot_general3A_111, %add3A_112 : vector<4096x20xf32>
    %tanh3A_114 = math.tanh %add3A_113 : vector<4096x20xf32>
    %dot_general3A_115 = arith.constant dense<0.000000e+00> : vector<4096x1xf32>
    %dot_general3A_116 = tpu.matmul %tanh3A_114, %get3A_97, %dot_general3A_115 {dimension_numbers = #tpu.dot_dimension_numbers<[1], [0], [0], [1], [0, 0, 1, 1], [], []>, transpose_lhs_hint = false} : vector<4096x20xf32>, vector<20x1xf32>, vector<4096x1xf32> -> vector<4096x1xf32>
    %add3A_117 = vector.broadcast %get3A_100 : vector<1x1xf32> to vector<4096x1xf32>
    %add3A_118 = arith.addf %dot_general3A_116, %add3A_117 : vector<4096x1xf32>
    %sub3A_119 = arith.constant 1.000000e+00 : f32
    %sub3A_120 = vector.broadcast %sub3A_119 : f32 to vector<4096x1xf32>
    %sub3A_121 = arith.subf %sub3A_120, %div3A_76 : vector<4096x1xf32>
    %mul3A_122 = arith.constant 1.000000e+01 : f32
    %mul3A_123 = vector.broadcast %mul3A_122 : f32 to vector<4096x1xf32>
    %mul3A_124 = arith.mulf %mul3A_123, %sub3A_121 : vector<4096x1xf32>
    %logistic3A = arith.negf %mul3A_124 : vector<4096x1xf32>
    %logistic3A_125 = math.exp %logistic3A : vector<4096x1xf32>
    %logistic3A_126 = arith.constant 1.000000e+00 : f32
    %logistic3A_127 = vector.broadcast %logistic3A_126 : f32 to vector<4096x1xf32>
    %logistic3A_128 = arith.addf %logistic3A_127, %logistic3A_125 : vector<4096x1xf32>
    %logistic3A_129 = arith.divf %logistic3A_127, %logistic3A_128 : vector<4096x1xf32>
    %mul3A_130 = arith.mulf %add3A_118, %logistic3A_129 : vector<4096x1xf32>
    %mul3A_131 = vector.broadcast %get3A_75 : f32 to vector<4096x1xf32>
    %mul3A_132 = arith.mulf %mul3A_130, %mul3A_131 : vector<4096x1xf32>
    %add3A_133 = arith.constant 9.99999974E-6 : f32
    %add3A_134 = vector.broadcast %add3A_133 : f32 to vector<4096x1xf32>
    %add3A_135 = arith.addf %div3A_76, %add3A_134 : vector<4096x1xf32>
    %mul3A_136 = vector.broadcast %add3A_135 : vector<4096x1xf32> to vector<4096x20xf32>
    %mul3A_137 = vector.broadcast %get3A_79 : vector<1x20xf32> to vector<4096x20xf32>
    %mul3A_138 = arith.mulf %mul3A_136, %mul3A_137 : vector<4096x20xf32>
    %add3A_139 = vector.broadcast %get3A_82 : vector<1x20xf32> to vector<4096x20xf32>
    %add3A_140 = arith.addf %mul3A_138, %add3A_139 : vector<4096x20xf32>
    %tanh3A_141 = math.tanh %add3A_140 : vector<4096x20xf32>
    %dot_general3A_142 = arith.constant dense<0.000000e+00> : vector<4096x100xf32>
    %dot_general3A_143 = tpu.matmul %tanh3A_141, %get3A_85, %dot_general3A_142 {dimension_numbers = #tpu.dot_dimension_numbers<[1], [0], [0], [1], [0, 0, 1, 1], [], []>, transpose_lhs_hint = false} : vector<4096x20xf32>, vector<20x100xf32>, vector<4096x100xf32> -> vector<4096x100xf32>
    %add3A_144 = vector.broadcast %get3A_88 : vector<1x100xf32> to vector<4096x100xf32>
    %add3A_145 = arith.addf %dot_general3A_143, %add3A_144 : vector<4096x100xf32>
    %tanh3A_146 = math.tanh %add3A_145 : vector<4096x100xf32>
    %dot_general3A_147 = arith.constant dense<0.000000e+00> : vector<4096x20xf32>
    %dot_general3A_148 = tpu.matmul %tanh3A_146, %get3A_91, %dot_general3A_147 {dimension_numbers = #tpu.dot_dimension_numbers<[1], [0], [0], [1], [0, 0, 1, 1], [], []>, transpose_lhs_hint = false} : vector<4096x100xf32>, vector<100x20xf32>, vector<4096x20xf32> -> vector<4096x20xf32>
    %add3A_149 = vector.broadcast %get3A_94 : vector<1x20xf32> to vector<4096x20xf32>
    %add3A_150 = arith.addf %dot_general3A_148, %add3A_149 : vector<4096x20xf32>
    %tanh3A_151 = math.tanh %add3A_150 : vector<4096x20xf32>
    %dot_general3A_152 = arith.constant dense<0.000000e+00> : vector<4096x1xf32>
    %dot_general3A_153 = tpu.matmul %tanh3A_151, %get3A_97, %dot_general3A_152 {dimension_numbers = #tpu.dot_dimension_numbers<[1], [0], [0], [1], [0, 0, 1, 1], [], []>, transpose_lhs_hint = false} : vector<4096x20xf32>, vector<20x1xf32>, vector<4096x1xf32> -> vector<4096x1xf32>
    %add3A_154 = vector.broadcast %get3A_100 : vector<1x1xf32> to vector<4096x1xf32>
    %add3A_155 = arith.addf %dot_general3A_153, %add3A_154 : vector<4096x1xf32>
    %sub3A_156 = arith.constant 1.000000e+00 : f32
    %sub3A_157 = vector.broadcast %sub3A_156 : f32 to vector<4096x1xf32>
    %sub3A_158 = arith.subf %sub3A_157, %add3A_135 : vector<4096x1xf32>
    %mul3A_159 = arith.constant 1.000000e+01 : f32
    %mul3A_160 = vector.broadcast %mul3A_159 : f32 to vector<4096x1xf32>
    %mul3A_161 = arith.mulf %mul3A_160, %sub3A_158 : vector<4096x1xf32>
    %logistic3A_162 = arith.negf %mul3A_161 : vector<4096x1xf32>
    %logistic3A_163 = math.exp %logistic3A_162 : vector<4096x1xf32>
    %logistic3A_164 = arith.constant 1.000000e+00 : f32
    %logistic3A_165 = vector.broadcast %logistic3A_164 : f32 to vector<4096x1xf32>
    %logistic3A_166 = arith.addf %logistic3A_165, %logistic3A_163 : vector<4096x1xf32>
    %logistic3A_167 = arith.divf %logistic3A_165, %logistic3A_166 : vector<4096x1xf32>
    %mul3A_168 = arith.mulf %add3A_155, %logistic3A_167 : vector<4096x1xf32>
    %mul3A_169 = vector.broadcast %get3A_75 : f32 to vector<4096x1xf32>
    %mul3A_170 = arith.mulf %mul3A_168, %mul3A_169 : vector<4096x1xf32>
    %sub3A_171 = arith.constant 9.99999974E-6 : f32
    %sub3A_172 = vector.broadcast %sub3A_171 : f32 to vector<4096x1xf32>
    %sub3A_173 = arith.subf %div3A_76, %sub3A_172 : vector<4096x1xf32>
    %mul3A_174 = vector.broadcast %sub3A_173 : vector<4096x1xf32> to vector<4096x20xf32>
    %mul3A_175 = vector.broadcast %get3A_79 : vector<1x20xf32> to vector<4096x20xf32>
    %mul3A_176 = arith.mulf %mul3A_174, %mul3A_175 : vector<4096x20xf32>
    %add3A_177 = vector.broadcast %get3A_82 : vector<1x20xf32> to vector<4096x20xf32>
    %add3A_178 = arith.addf %mul3A_176, %add3A_177 : vector<4096x20xf32>
    %tanh3A_179 = math.tanh %add3A_178 : vector<4096x20xf32>
    %dot_general3A_180 = arith.constant dense<0.000000e+00> : vector<4096x100xf32>
    %dot_general3A_181 = tpu.matmul %tanh3A_179, %get3A_85, %dot_general3A_180 {dimension_numbers = #tpu.dot_dimension_numbers<[1], [0], [0], [1], [0, 0, 1, 1], [], []>, transpose_lhs_hint = false} : vector<4096x20xf32>, vector<20x100xf32>, vector<4096x100xf32> -> vector<4096x100xf32>
    %add3A_182 = vector.broadcast %get3A_88 : vector<1x100xf32> to vector<4096x100xf32>
    %add3A_183 = arith.addf %dot_general3A_181, %add3A_182 : vector<4096x100xf32>
    %tanh3A_184 = math.tanh %add3A_183 : vector<4096x100xf32>
    %dot_general3A_185 = arith.constant dense<0.000000e+00> : vector<4096x20xf32>
    %dot_general3A_186 = tpu.matmul %tanh3A_184, %get3A_91, %dot_general3A_185 {dimension_numbers = #tpu.dot_dimension_numbers<[1], [0], [0], [1], [0, 0, 1, 1], [], []>, transpose_lhs_hint = false} : vector<4096x100xf32>, vector<100x20xf32>, vector<4096x20xf32> -> vector<4096x20xf32>
    %add3A_187 = vector.broadcast %get3A_94 : vector<1x20xf32> to vector<4096x20xf32>
    %add3A_188 = arith.addf %dot_general3A_186, %add3A_187 : vector<4096x20xf32>
    %tanh3A_189 = math.tanh %add3A_188 : vector<4096x20xf32>
    %dot_general3A_190 = arith.constant dense<0.000000e+00> : vector<4096x1xf32>
    %dot_general3A_191 = tpu.matmul %tanh3A_189, %get3A_97, %dot_general3A_190 {dimension_numbers = #tpu.dot_dimension_numbers<[1], [0], [0], [1], [0, 0, 1, 1], [], []>, transpose_lhs_hint = false} : vector<4096x20xf32>, vector<20x1xf32>, vector<4096x1xf32> -> vector<4096x1xf32>
    %add3A_192 = vector.broadcast %get3A_100 : vector<1x1xf32> to vector<4096x1xf32>
    %add3A_193 = arith.addf %dot_general3A_191, %add3A_192 : vector<4096x1xf32>
    %sub3A_194 = arith.constant 1.000000e+00 : f32
    %sub3A_195 = vector.broadcast %sub3A_194 : f32 to vector<4096x1xf32>
    %sub3A_196 = arith.subf %sub3A_195, %sub3A_173 : vector<4096x1xf32>
    %mul3A_197 = arith.constant 1.000000e+01 : f32
    %mul3A_198 = vector.broadcast %mul3A_197 : f32 to vector<4096x1xf32>
    %mul3A_199 = arith.mulf %mul3A_198, %sub3A_196 : vector<4096x1xf32>
    %logistic3A_200 = arith.negf %mul3A_199 : vector<4096x1xf32>
    %logistic3A_201 = math.exp %logistic3A_200 : vector<4096x1xf32>
    %logistic3A_202 = arith.constant 1.000000e+00 : f32
    %logistic3A_203 = vector.broadcast %logistic3A_202 : f32 to vector<4096x1xf32>
    %logistic3A_204 = arith.addf %logistic3A_203, %logistic3A_201 : vector<4096x1xf32>
    %logistic3A_205 = arith.divf %logistic3A_203, %logistic3A_204 : vector<4096x1xf32>
    %mul3A_206 = arith.mulf %add3A_193, %logistic3A_205 : vector<4096x1xf32>
    %mul3A_207 = vector.broadcast %get3A_75 : f32 to vector<4096x1xf32>
    %mul3A_208 = arith.mulf %mul3A_206, %mul3A_207 : vector<4096x1xf32>
    %sub3A_209 = arith.subf %mul3A_170, %mul3A_208 : vector<4096x1xf32>
    %div3A_210 = arith.constant 2.000000e-05 : f32
    %div3A_211 = vector.broadcast %div3A_210 : f32 to vector<4096x1xf32>
    %div3A_212 = arith.divf %sub3A_209, %div3A_211 : vector<4096x1xf32>
    %div3A_213 = vector.broadcast %get3A_71 : f32 to vector<4096x1xf32>
    %div3A_214 = arith.divf %div3A_212, %div3A_213 : vector<4096x1xf32>
    %div3A_215 = arith.constant 1.000000e+00 : f32
    %div3A_216 = vector.broadcast %div3A_215 : f32 to vector<4096x1xf32>
    %div3A_217 = arith.divf %div3A_216, %sqrt3A : vector<4096x1xf32>
    %mul3A_218 = vector.broadcast %div3A_217 : vector<4096x1xf32> to vector<4096x16xf32>
    %mul3A_219 = arith.mulf %select_n3A_37, %mul3A_218 : vector<4096x16xf32>
    %eq3A_220 = arith.constant 11 : i32
    %eq3A_221 = vector.broadcast %eq3A_220 : i32 to vector<4096x16xi32>
    %eq3A_222 = arith.cmpi eq, %iota3A, %eq3A_221 : vector<4096x16xi32>
    %jit3A_223 = arith.constant 0.000000e+00 : f32
    %broadcast_in_dim3A_224 = vector.broadcast %jit3A_223 : f32 to vector<4096x16xf32>
    %select_n3A_225 = arith.select %eq3A_222, %get3A_1, %broadcast_in_dim3A_224 : vector<4096x16xi1>, vector<4096x16xf32>
    %reduce_sum3A_226 = arith.constant dense<0.000000e+00> : vector<4096xf32>
    %reduce_sum3A_227 = vector.multi_reduction <add>, %select_n3A_225, %reduce_sum3A_226 [1] : vector<4096x16xf32> to vector<4096xf32>
    %broadcast_in_dim3A_228 = vector.shape_cast %reduce_sum3A_227 : vector<4096xf32> to vector<4096x1xf32>
    %eq3A_229 = arith.constant 1 : i32
    %eq3A_230 = vector.broadcast %eq3A_229 : i32 to vector<4096x16xi32>
    %eq3A_231 = arith.cmpi eq, %iota3A, %eq3A_230 : vector<4096x16xi32>
    %jit3A_232 = arith.constant 0.000000e+00 : f32
    %broadcast_in_dim3A_233 = vector.broadcast %jit3A_232 : f32 to vector<4096x16xf32>
    %select_n3A_234 = arith.select %eq3A_231, %get3A_1, %broadcast_in_dim3A_233 : vector<4096x16xi1>, vector<4096x16xf32>
    %reduce_sum3A_235 = arith.constant dense<0.000000e+00> : vector<4096xf32>
    %reduce_sum3A_236 = vector.multi_reduction <add>, %select_n3A_234, %reduce_sum3A_235 [1] : vector<4096x16xf32> to vector<4096xf32>
    %broadcast_in_dim3A_237 = vector.shape_cast %reduce_sum3A_236 : vector<4096xf32> to vector<4096x1xf32>
    %eq3A_238 = arith.constant 0 : i32
    %eq3A_239 = vector.broadcast %eq3A_238 : i32 to vector<4096x16xi32>
    %eq3A_240 = arith.cmpi eq, %iota3A, %eq3A_239 : vector<4096x16xi32>
    %jit3A_241 = arith.constant 0.000000e+00 : f32
    %broadcast_in_dim3A_242 = vector.broadcast %jit3A_241 : f32 to vector<4096x16xf32>
    %select_n3A_243 = arith.select %eq3A_240, %reshape3A, %broadcast_in_dim3A_242 : vector<4096x16xi1>, vector<4096x16xf32>
    %reduce_sum3A_244 = arith.constant dense<0.000000e+00> : vector<4096xf32>
    %reduce_sum3A_245 = vector.multi_reduction <add>, %select_n3A_243, %reduce_sum3A_244 [1] : vector<4096x16xf32> to vector<4096xf32>
    %broadcast_in_dim3A_246 = vector.shape_cast %reduce_sum3A_245 : vector<4096xf32> to vector<4096x1xf32>
    %lt3A_247 = arith.constant 8 : i32
    %lt3A_248 = vector.broadcast %lt3A_247 : i32 to vector<4096x16xi32>
    %lt3A_249 = arith.cmpi slt, %iota3A, %lt3A_248 : vector<4096x16xi32>
    %jit3A_250 = arith.constant 0.000000e+00 : f32
    %broadcast_in_dim3A_251 = vector.broadcast %jit3A_250 : f32 to vector<4096x16xf32>
    %select_n3A_252 = arith.select %lt3A_249, %get3A_1, %broadcast_in_dim3A_251 : vector<4096x16xi1>, vector<4096x16xf32>
    %div3A_253 = arith.divf %mul3A_132, %broadcast_in_dim3A_228 : vector<4096x1xf32>
    %mul3A_254 = vector.broadcast %div3A_253 : vector<4096x1xf32> to vector<4096x16xf32>
    %mul3A_255 = arith.mulf %select_n3A_252, %mul3A_254 : vector<4096x16xf32>
    %sub3A_256 = arith.subf %broadcast_in_dim3A_237, %broadcast_in_dim3A_246 : vector<4096x1xf32>
    %mul3A_257 = arith.mulf %sub3A_256, %div3A_214 : vector<4096x1xf32>
    %mul3A_258 = vector.broadcast %mul3A_257 : vector<4096x1xf32> to vector<4096x16xf32>
    %mul3A_259 = arith.mulf %mul3A_258, %mul3A_219 : vector<4096x16xf32>
    %reshape3A_260 = vector.shape_cast %mul3A_255 : vector<4096x16xf32> to vector<256x16x16xf32>
    %reduce_sum3A_261 = arith.constant dense<0.000000e+00> : vector<256x16xf32>
    %reduce_sum3A_262 = vector.multi_reduction <add>, %reshape3A_260, %reduce_sum3A_261 [1] : vector<256x16x16xf32> to vector<256x16xf32>
    %reshape3A_263 = vector.shape_cast %mul3A_259 : vector<4096x16xf32> to vector<256x16x16xf32>
    %reduce_sum3A_264 = arith.constant dense<0.000000e+00> : vector<256x16xf32>
    %reduce_sum3A_265 = vector.multi_reduction <add>, %reshape3A_263, %reduce_sum3A_264 [1] : vector<256x16x16xf32> to vector<256x16xf32>
    %broadcast_in_dim3A_266 = arith.constant 0.000000e+00 : f32
    %broadcast_in_dim3A_267 = vector.broadcast %broadcast_in_dim3A_266 : f32 to vector<256x1xf32>
    %mul3A_268 = vector.broadcast %broadcast_in_dim3A_267 : vector<256x1xf32> to vector<256x20xf32>
    %mul3A_269 = vector.broadcast %get3A_79 : vector<1x20xf32> to vector<256x20xf32>
    %mul3A_270 = arith.mulf %mul3A_268, %mul3A_269 : vector<256x20xf32>
    %add3A_271 = vector.broadcast %get3A_82 : vector<1x20xf32> to vector<256x20xf32>
    %add3A_272 = arith.addf %mul3A_270, %add3A_271 : vector<256x20xf32>
    %tanh3A_273 = math.tanh %add3A_272 : vector<256x20xf32>
    %dot_general3A_274 = arith.constant dense<0.000000e+00> : vector<256x100xf32>
    %dot_general3A_275 = tpu.matmul %tanh3A_273, %get3A_85, %dot_general3A_274 {dimension_numbers = #tpu.dot_dimension_numbers<[1], [0], [0], [1], [0, 0, 1, 1], [], []>, transpose_lhs_hint = false} : vector<256x20xf32>, vector<20x100xf32>, vector<256x100xf32> -> vector<256x100xf32>
    %add3A_276 = vector.broadcast %get3A_88 : vector<1x100xf32> to vector<256x100xf32>
    %add3A_277 = arith.addf %dot_general3A_275, %add3A_276 : vector<256x100xf32>
    %tanh3A_278 = math.tanh %add3A_277 : vector<256x100xf32>
    %dot_general3A_279 = arith.constant dense<0.000000e+00> : vector<256x20xf32>
    %dot_general3A_280 = tpu.matmul %tanh3A_278, %get3A_91, %dot_general3A_279 {dimension_numbers = #tpu.dot_dimension_numbers<[1], [0], [0], [1], [0, 0, 1, 1], [], []>, transpose_lhs_hint = false} : vector<256x100xf32>, vector<100x20xf32>, vector<256x20xf32> -> vector<256x20xf32>
    %add3A_281 = vector.broadcast %get3A_94 : vector<1x20xf32> to vector<256x20xf32>
    %add3A_282 = arith.addf %dot_general3A_280, %add3A_281 : vector<256x20xf32>
    %tanh3A_283 = math.tanh %add3A_282 : vector<256x20xf32>
    %dot_general3A_284 = arith.constant dense<0.000000e+00> : vector<256x1xf32>
    %dot_general3A_285 = tpu.matmul %tanh3A_283, %get3A_97, %dot_general3A_284 {dimension_numbers = #tpu.dot_dimension_numbers<[1], [0], [0], [1], [0, 0, 1, 1], [], []>, transpose_lhs_hint = false} : vector<256x20xf32>, vector<20x1xf32>, vector<256x1xf32> -> vector<256x1xf32>
    %add3A_286 = vector.broadcast %get3A_100 : vector<1x1xf32> to vector<256x1xf32>
    %add3A_287 = arith.addf %dot_general3A_285, %add3A_286 : vector<256x1xf32>
    %sub3A_288 = arith.constant 1.000000e+00 : f32
    %sub3A_289 = vector.broadcast %sub3A_288 : f32 to vector<256x1xf32>
    %sub3A_290 = arith.subf %sub3A_289, %broadcast_in_dim3A_267 : vector<256x1xf32>
    %mul3A_291 = arith.constant 1.000000e+01 : f32
    %mul3A_292 = vector.broadcast %mul3A_291 : f32 to vector<256x1xf32>
    %mul3A_293 = arith.mulf %mul3A_292, %sub3A_290 : vector<256x1xf32>
    %logistic3A_294 = arith.negf %mul3A_293 : vector<256x1xf32>
    %logistic3A_295 = math.exp %logistic3A_294 : vector<256x1xf32>
    %logistic3A_296 = arith.constant 1.000000e+00 : f32
    %logistic3A_297 = vector.broadcast %logistic3A_296 : f32 to vector<256x1xf32>
    %logistic3A_298 = arith.addf %logistic3A_297, %logistic3A_295 : vector<256x1xf32>
    %logistic3A_299 = arith.divf %logistic3A_297, %logistic3A_298 : vector<256x1xf32>
    %mul3A_300 = arith.mulf %add3A_287, %logistic3A_299 : vector<256x1xf32>
    %mul3A_301 = vector.broadcast %get3A_75 : f32 to vector<256x1xf32>
    %mul3A_302 = arith.mulf %mul3A_300, %mul3A_301 : vector<256x1xf32>
    %reshape3A_303 = vector.shape_cast %mul3A_132 : vector<4096x1xf32> to vector<256x16x1xf32>
    %reduce_sum3A_304 = arith.constant dense<0.000000e+00> : vector<256x1xf32>
    %reduce_sum3A_305 = vector.multi_reduction <add>, %reshape3A_303, %reduce_sum3A_304 [1] : vector<256x16x1xf32> to vector<256x1xf32>
    %add3A_306 = arith.addf %mul3A_302, %reduce_sum3A_305 : vector<256x1xf32>
    %iota3A_307 = tpu.iota {dimensions = array<i32: 1>} : vector<256x16xi32>
    %lt3A_308 = arith.constant 8 : i32
    %lt3A_309 = vector.broadcast %lt3A_308 : i32 to vector<256x16xi32>
    %lt3A_310 = arith.cmpi slt, %iota3A_307, %lt3A_309 : vector<256x16xi32>
    %div3A_311 = vector.broadcast %add3A_306 : vector<256x1xf32> to vector<256x16xf32>
    %div3A_312 = arith.divf %reduce_sum3A_265, %div3A_311 : vector<256x16xf32>
    %select_n3A_313 = arith.select %lt3A_310, %reduce_sum3A_262, %div3A_312 : vector<256x16xi1>, vector<256x16xf32>
    %swap3A = arith.constant 0 : index
    %swap3A_314 = arith.constant 0 : index
    %swap3A_315 = vector.load %arg12[%swap3A, %swap3A_314] : memref<256x16xf32, #tpu.memory_space<vmem>>, vector<256x16xf32>
    tpu.vector_store %arg12[%swap3A, %swap3A_314], %select_n3A_313 {strides = array<i32>} : memref<256x16xf32, #tpu.memory_space<vmem>>, vector<256x16xf32>,
    return
  }
  func.func @transform_0(%arg0: i32) -> (i32, i32) {
    %c0_i32 = arith.constant 0 : i32
    %c0_i32_0 = arith.constant 0 : i32
    %c0_i32_1 = arith.constant 0 : i32
    return %c0_i32, %c0_i32_0 : i32, i32
  }
  func.func @transform_1(%arg0: i32) -> (i32, i32) {
    %c0_i32 = arith.constant 0 : i32
    %c0_i32_0 = arith.constant 0 : i32
    return %arg0, %c0_i32 : i32, i32
  }
  func.func @transform_2(%arg0: i32) -> (i32, i32) {
    %c0_i32 = arith.constant 0 : i32
    %c0_i32_0 = arith.constant 0 : i32
    return %arg0, %c0_i32 : i32, i32
  }
  func.func @transform_3(%arg0: i32) -> (i32, i32) {
    %c0_i32 = arith.constant 0 : i32
    %c0_i32_0 = arith.constant 0 : i32
    %c0_i32_1 = arith.constant 0 : i32
    return %c0_i32, %c0_i32_0 : i32, i32
  }
  func.func @transform_4(%arg0: i32) -> (i32, i32) {
    %c0_i32 = arith.constant 0 : i32
    %c0_i32_0 = arith.constant 0 : i32
    %c0_i32_1 = arith.constant 0 : i32
    return %c0_i32, %c0_i32_0 : i32, i32
  }
  func.func @transform_5(%arg0: i32) -> (i32, i32) {
    %c0_i32 = arith.constant 0 : i32
    %c0_i32_0 = arith.constant 0 : i32
    %c0_i32_1 = arith.constant 0 : i32
    return %c0_i32, %c0_i32_0 : i32, i32
  }
  func.func @transform_6(%arg0: i32) -> (i32, i32) {
    %c0_i32 = arith.constant 0 : i32
    %c0_i32_0 = arith.constant 0 : i32
    %c0_i32_1 = arith.constant 0 : i32
    return %c0_i32, %c0_i32_0 : i32, i32
  }
  func.func @transform_7(%arg0: i32) -> (i32, i32) {
    %c0_i32 = arith.constant 0 : i32
    %c0_i32_0 = arith.constant 0 : i32
    %c0_i32_1 = arith.constant 0 : i32
    return %c0_i32, %c0_i32_0 : i32, i32
  }
  func.func @transform_8(%arg0: i32) -> (i32, i32) {
    %c0_i32 = arith.constant 0 : i32
    %c0_i32_0 = arith.constant 0 : i32
    %c0_i32_1 = arith.constant 0 : i32
    return %c0_i32, %c0_i32_0 : i32, i32
  }
  func.func @transform_9(%arg0: i32) -> (i32, i32) {
    %c0_i32 = arith.constant 0 : i32
    %c0_i32_0 = arith.constant 0 : i32
    %c0_i32_1 = arith.constant 0 : i32
    return %c0_i32, %c0_i32_0 : i32, i32
  }
  func.func @transform_10(%arg0: i32) -> (i32, i32) {
    %c0_i32 = arith.constant 0 : i32
    %c0_i32_0 = arith.constant 0 : i32
    %c0_i32_1 = arith.constant 0 : i32
    return %c0_i32, %c0_i32_0 : i32, i32
  }
  func.func @transform_11(%arg0: i32) -> (i32, i32) {
    %c0_i32 = arith.constant 0 : i32
    %c0_i32_0 = arith.constant 0 : i32
    return %arg0, %c0_i32 : i32, i32
  }
}

</mosaic_0001>

<sc_bundles>
// kernel: kernel.6.cloned.1.call-start
scs
__scs_entry_jumppad:
0x0: {  	(pc) =	sbr.rel $0x88, $3  }
0x1: {  	(tag) =	ssettag $0x0;
	lr =	simm.s32 $0x1  }
0x2: {  	[smem:$0x3F90] =	sst lr;
	_ =	strace $0xD0000000  }
0x3: {  	_ = 	snop  }
0x4: {  	_ = 	snop  }
0x5: {  	_ = 	snop  }
0x6: {  	_ = 	snop  }
0x7: {  	_ = 	snop  }
__scs_overlays_trampoline_lowered:
0x8: {  	[smem:$0x3F9F] =	sst s0  }
0x9: {  	[smem:$0x3FA0] =	sst s1  }
0xa: {  	[smem:$0x3FA1] =	sst s2  }
0xb: {  	[smem:$0x3FA2] =	sst s3  }
0xc: {  	[smem:$0x3FA3] =	sst s4  }
0xd: {  	[smem:$0x3FA4] =	sst s5  }
0xe: {  	[smem:$0x3FA5] =	sst s6  }
0xf: {  	[smem:$0x3FA6] =	sst s7  }
0x10: {  	[smem:$0x3FA7] =	sst s8  }
0x11: {  	[smem:$0x3FA8] =	sst s9;
	s0 =	simm.s32 @!p0 $0x0  }
0x12: {  	s1 =	sld [smem:$0x3F8E];
	s0 =	simm.s32 @p0 $0x1  }
0x13: {  	[smem:$0x3FA9] =	sst s0;
	s0 =	simm.s32 @!p1 $0x0  }
0x14: {  	s2 =	sld [smem:$0x3F8D];
	s0 =	simm.s32 @p1 $0x1  }
0x15: {  	[smem:$0x3FAA] =	sst s0;
	s0 =	simm.s32 @!p2 $0x0  }
0x16: {  	s3 =	sld [smem:$0x3FDB];
	s0 =	simm.s32 @p2 $0x1  }
0x17: {  	s4 =	simm.s32 $0x1BF5;
	[smem:$0x3FAC] =	sst s0  }
0x18: {  	s0 =	sld [smem:$0x3F8F];
	_ =	swait.ge [sflag:s4], $0x0  }
0x19: {  	s7 =	sld [smem:$0x3F90]  }
0x1a: {  	s8 =	sadd.s32 $0xFFFFE003, lr  }
0x1b: {  	s9 =	sadd.s32 $0xFFFFFEF7, lr;
	s5 =	simm.s32 $0xFFFFFFFF;
	p2 =	slt.u32 s8, $0xFFFFF086  }
0x1c: {  	p1 =	slt.u32 s9, $0xF7A;
	s5 =	simm.s32 @!p2 $0x0  }
0x1d: {  	s5 =	simm.s32 @p1 $0x1;
	p0 =	seq.s32 s7, s2  }
0x1e: {  	s7 =	smul.u32 @!p0 $0xF7A, s2;
	p2 =	seq.s32 @!p0 s5, $0x0  }
0x1f: {  	s9 =	smul.u32 $0xF7A, s1;
	s8 =	simm.s32 @!p0 $0x1BF5;
	p2 =	por !p2, p0  }
0x20: {  	[sflag:s8] =	ssyncset.s32 @!p0 $0xFFFFF086;
	s6 =	sadd.s32 @!p0 s3, s7;
	s7 =	simm.s32 @!p0 $0x108  }
0x21: {  	s3 =	sadd.s32 s3, s9;
	s6 =	sadd.s32 @!p0 $0x88, s6;
	s7 =	simm.s32 @p2 $0x1082  }
0x22: {  	[simem:s7], [sflag:s8] =	dma.local @!p0 [hbm:s6], $0xF7A  }
0x23: {  	s9 =	sor.u32 $0xD0000000, s2;
	s6 =	simm.s32 $0x108;
	_ =	swait.ge @!p0 [sflag:s8], $0x0  }
0x24: {  	s3 =	sadd.s32 $0x88, s3;
	s6 =	simm.s32 @!p1 $0x1082;
	[sflag:s4] =	ssyncset.s32 $0xFFFFF086  }
0x25: {  	[simem:s6], [sflag:s4] =	dma.local [hbm:s3], $0xF7A  }
0x26: {  	[smem:$0x3F90] =	sst s1;
	(tag) =	ssettag s2;
	_ =	strace s9  }
0x27: {  	s1 =	sld [smem:$0x3FA0]  }
0x28: {  	s2 =	sld [smem:$0x3FA1]  }
0x29: {  	s4 =	sld [smem:$0x3FA3]  }
0x2a: {  	p0 =	seq.s32 s5, $0x0;
	s5 =	sld [smem:$0x3FA4]  }
0x2b: {  	s6 =	sld [smem:$0x3FA5]  }
0x2c: {  	s7 =	sld [smem:$0x3FA6]  }
0x2d: {  	s3 =	simm.s32 $0x108;
	s8 =	sld [smem:$0x3FA7]  }
0x2e: {  	s3 =	simm.s32 @!p0 $0x1082;
	s9 =	sld [smem:$0x3FA8]  }
0x2f: {  	lr =	sadd.s32 s0, s3;
	s0 =	sld [smem:$0x3F9F]  }
0x30: {  	s3 =	sld [smem:$0x3FA2]  }
0x31: {  	[smem:$0x3FAB] =	sst s10  }
0x32: {  	s10 =	sld [smem:$0x3FA9];
	_ =	sdelay $0x3  }
0x33: {  	p0 =	seq.s32 s10, $0x1;
	s10 =	sld [smem:$0x3FAB];
	_ =	sdelay $0x3  }
0x34: {  	[smem:$0x3FAB] =	sst s10  }
0x35: {  	s10 =	sld [smem:$0x3FAA];
	_ =	sdelay $0x3  }
0x36: {  	p1 =	seq.s32 s10, $0x1;
	s10 =	sld [smem:$0x3FAB];
	_ =	sdelay $0x3  }
0x37: {  	[smem:$0x3FAB] =	sst s10  }
0x38: {  	s10 =	sld [smem:$0x3FAC]  }
0x39: {  	_ = 	snop;
	(pc) =	sbr.ind lr, $3  }
0x3a: {  	_ = 	snop  }
0x3b: {  	_ = 	snop  }
0x3c: {  	p2 =	seq.s32 s10, $0x1;
	s10 =	sld [smem:$0x3FAB]  }
0x3d: {  	_ =	shalt  }
0x3e: {  	_ =	shalt  }
0x3f: {  	_ =	shalt  }
0x40: {  	_ =	shalt  }
0x41: {  	_ =	shalt  }
0x42: {  	_ =	shalt  }
0x43: {  	_ =	shalt  }
0x44: {  	_ =	shalt  }
0x45: {  	_ =	shalt  }
0x46: {  	_ =	shalt  }
0x47: {  	_ =	shalt  }
0x48: {  	_ =	shalt  }
0x49: {  	_ =	shalt  }
0x4a: {  	_ =	shalt  }
0x4b: {  	_ =	shalt  }
0x4c: {  	_ =	shalt  }
0x4d: {  	_ =	shalt  }
0x4e: {  	_ =	shalt  }
0x4f: {  	_ =	shalt  }
0x50: {  	_ =	shalt  }
0x51: {  	_ =	shalt  }
0x52: {  	_ =	shalt  }
0x53: {  	_ =	shalt  }
0x54: {  	_ =	shalt  }
0x55: {  	_ =	shalt  }
0x56: {  	_ =	shalt  }
0x57: {  	_ =	shalt  }
0x58: {  	_ =	shalt  }
0x59: {  	_ =	shalt  }
0x5a: {  	_ =	shalt  }
0x5b: {  	_ =	shalt  }
0x5c: {  	_ =	shalt  }
0x5d: {  	_ =	shalt  }
0x5e: {  	_ =	shalt  }
0x5f: {  	_ =	shalt  }
0x60: {  	_ =	shalt  }
0x61: {  	_ =	shalt  }
0x62: {  	_ =	shalt  }
0x63: {  	_ =	shalt  }
0x64: {  	_ =	shalt  }
0x65: {  	_ =	shalt  }
0x66: {  	_ =	shalt  }
0x67: {  	_ =	shalt  }
0x68: {  	_ =	shalt  }
0x69: {  	_ =	shalt  }
0x6a: {  	_ =	shalt  }
0x6b: {  	_ =	shalt  }
0x6c: {  	_ =	shalt  }
0x6d: {  	_ =	shalt  }
0x6e: {  	_ =	shalt  }
0x6f: {  	_ =	shalt  }
0x70: {  	_ =	shalt  }
0x71: {  	_ =	shalt  }
0x72: {  	_ =	shalt  }
0x73: {  	_ =	shalt  }
0x74: {  	_ =	shalt  }
0x75: {  	_ =	shalt  }
0x76: {  	_ =	shalt  }
0x77: {  	_ =	shalt  }
0x78: {  	_ =	shalt  }
0x79: {  	_ =	shalt  }
0x7a: {  	_ =	shalt  }
0x7b: {  	_ =	shalt  }
0x7c: {  	_ =	shalt  }
0x7d: {  	_ =	shalt  }
0x7e: {  	_ =	shalt  }
0x7f: {  	_ =	shalt  }
0x80: {  	_ =	shalt  }
0x81: {  	_ =	shalt  }
0x82: {  	_ =	shalt  }
0x83: {  	_ =	shalt  }
0x84: {  	_ =	shalt  }
0x85: {  	_ =	shalt  }
0x86: {  	_ =	shalt  }
0x87: {  	_ =	shalt  }
.Lfunc_end0:
.L_simem_size_0:
called_computation_lowered:
.L_overlay_start_0:
0x88: {  	s2 =	sld [smem:$0x3FD9]  }
0x89: {  	s3 =	sld [smem:$0x3FFE];
	_ =	sdelay $0x1  }
0x8a: {  	s1 =	srdreg.scid  }
0x8b: {  	s0 =	sand.u32 $0x1, s1  }
0x8c: {  	s14 =	sshll.u32 s0, $0xA;
	s2 =	sadd.s32 s3, s2  }
0x8d: {  	s2 =	sadd.s32 s2, s14  }
0x8e: {  	[smem:$0x3FB7] =	sst s2  }
0x8f: {  	_ = 	snop  }
0x90: {  	s2 =	sld [smem:$0x3FD0];
	_ =	sdelay $0x2  }
0x91: {  	s4 =	simm.s32 $0xA;
	s5 =	simm.s32 $0x10;
	s15 =	sld [smem:$0x3FC5]  }
0x92: {  	[smem:s5], [sflag:s4] =	dma.local [hbm:s2], $0x1  }
0x93: {  	_ =	swait.eq [sflag:s4], $0x1  }
0x94: {  	[sflag:s4] =	ssyncset.done $0x0  }
0x95: {  	s16 =	sld [smem:$0x10];
	[sflag:s4] =	ssyncadd.s32 $0xFFFFFFFF  }
0x96: {  	s17 =	sld [smem:$0x11];
	(tm) =	ssettm $0x1  }
0x97: {  	s18 =	sld [smem:$0x3FFB];
	_ =	sdelay $0x3  }
0x98: {  	_ =	strace s18  }
0x99: {  	s5 =	sld [smem:$0x3FFC];
	_ =	sdelay $0x3  }
0x9a: {  	_ =	strace s5  }
0x9b: {  	s5 =	sld [smem:$0x3FFD];
	_ =	sdelay $0x3  }
0x9c: {  	_ =	strace s5  }
0x9d: {  	_ =	strace $0x8FFFFFFF  }
0x9e: {  	s19 =	sld [smem:$0x3FDB];
	_ =	sdelay $0x1  }
0x9f: {  	s6 =	simm.s32 $_scs_section_size  }
0xa0: {  	s7 =	simm.s32 $_size__tile_overlayer_lowered;
	s8 =	simm.s32 $_tile_overlayer_lowered  }
0xa1: {  	s22 =	simm.s32 $0x1BFF;
	s21 =	sshll.u32 s8, $0x1;
	s5 =	sadd.s32 s6, s19  }
0xa2: {  	s9 =	simm.s32 $0x0;
	s20 =	sshll.u32 s7, $0x1;
	s7 =	sadd.s32 s21, s5  }
0xa3: {  	[timem:s9], [sflag:s22] =	dma.local [hbm:s7], s20  }
0xa4: {  	_ =	swait.ge [sflag:s22], s20  }
0xa5: {  	s6 =	ssub.s32 $0x0, s20;
	[sflag:s22] =	ssyncset.done $0x0  }
0xa6: {  	[sflag:s22] =	ssyncadd.s32 s6;
	_ =	sdelay $0x1  }
0xa7: {  	s23 =	simm.s32 $0x1B8B  }
0xa8: {  	_ =	swait.ge [sflag:s23], $0x1  }
0xa9: {  	[sflag:s23] =	ssyncset.done $0x0  }
0xaa: {  	s25 =	simm.s32 $0x1B8E;
	s24 =	sld [smem:$0x3FFE];
	[sflag:s23] =	ssyncadd.s32 $0xFFFFFFFF  }
0xab: {  	s26 =	simm.s32 $execute0_lowered;
	[smem:$0x3FD2] =	sst s25  }
0xac: {  	s7 =	sshll.u32 s26, $0x1;
	_ =	strace $0x80000046;
	[dreg:$0x1] =	wrdreg $0xFFFFFFFF  }
0xad: {  	s28 =	simm.s32 $_size_execute0_lowered;
	s5 =	sadd.s32 s5, s7;
	[dreg:$0x0] =	wrdreg $0x0  }
0xae: {  	s7 =	sshll.u32 s28, $0x1;
	[dreg:$0x2] =	wrdreg s5  }
0xaf: {  	[dreg:$0x3] =	wrdreg s7  }
0xb0: {  	[dreg:$0x4] =	wrdreg $0xC0  }
0xb1: {  	_ =	task [dreg:s9], $0x5FFFF  }
0xb2: {  	[dreg:$0x1] =	wrdreg $0xFFFFFFFF  }
0xb3: {  	[dreg:$0x0] =	wrdreg $0x60  }
0xb4: {  	[dreg:$0x2] =	wrdreg s24  }
0xb5: {  	[dreg:$0x3] =	wrdreg s16  }
0xb6: {  	[dreg:$0x4] =	wrdreg s17  }
0xb7: {  	[dreg:$0x5] =	wrdreg s15  }
0xb8: {  	[dreg:$0x6] =	wrdreg $0x9  }
0xb9: {  	_ =	task.clear_ibuf [dreg:s9], $0x7FFFF;
	_ =	strace $0x90000046  }
0xba: {  	s29 =	simm.s32 $0x9;
	_ =	strace $0x80000048  }
0xbb: {  	_ =	swait.ge [sflag:s29], $0x1  }
0xbc: {  	[sflag:s29] =	ssyncadd.s32 $0xFFFFFFFF  }
0xbd: {  	_ =	strace $0x90000048  }
0xbe: {  	_ =	sfence  }
0xbf: {  	s30 =	sld [smem:$0x0];
	_ =	sdelay $0x2  }
0xc0: {  	s31 =	sshll.u32 s1, $0xD;
	s1 =	sshrl.u32 s1, $0x2  }
0xc1: {  	s3 =	sand.u32 $0x4000, s31;
	s1 =	sadd.s32 s1, s30  }
0xc2: {  	s0 =	sor.u32 s3, s0;
	s1 =	sshll.u32 s1, $0x11  }
0xc3: {  	s0 =	sor.u32 s1, s0  }
0xc4: {  	s0 =	sadd.s32 $0x8F2B, s0  }
0xc5: {  	[sflag:s0] =	ssyncadd.remote.s32 $0x1  }
0xc6: {  	_ =	sfence.sel $0xFFFF  }
0xc7: {  	[dreg:$0x0] =	wrdreg $0xFFFFFFFF;
	(pc) =	sbr.abs _section_cstart, $3  }
0xc8: {  	[dreg:$0x1] =	wrdreg $0xFFFFFFFF  }
0xc9: {  	_ =	task.clear_ibuf [dreg:s9], $0x2FFFF;
	_ =	strace $0x9FFFFFFF  }
0xca: {  	(tm) =	ssettm $0x7FFFFFFF  }
0xcb: {  	_ =	shalt  }
tec
execute0_lowered:
.L_overlay_start_1:
0x0: {  	(tag) =	ssettag $0x1  }
0x1: {  	s8 =	rddreg [dreg:$0x0]  }
0x2: {  	s1 =	rddreg [dreg:$0x1]  }
0x3: {  	s3 =	rddreg [dreg:$0x2]  }
0x4: {  	s9 =	rddreg [dreg:$0x3]  }
0x5: {  	s0 =	rddreg [dreg:$0x4]  }
0x6: {  	s5 =	srdreg.scid;
	s2 =	stileid.u32;
	s4 =	simm.s32 $0x0  }
0x7: {  	s17 =	simm.s32 $0x80;
	s18 =	simm.s32 $0xA080;
	s19 =	simm.s32 $0x1  }
0x8: {  	s20 =	simm.s32 $0xA880;
	s21 =	simm.s32 $0x2800;
	s22 =	simm.s32 $0x5000  }
0x9: {  	s23 =	simm.s32 $0x7800;
	s24 =	simm.s32 $0x8C00;
	s25 =	simm.s32 $0x0  }
0xa: {  	s11 =	sand.u32 $0x1, s5;
	s30 =	sshll.u32 s2, $0x1;
	[smem:$0x7FF] =	sst s4  }
0xb: {  	s5 =	sadd.s32 $0x2800, s8;
	s6 =	sadd.s32 $0xCE00, s8;
	s15 =	smul.u32 $0x280, s2  }
0xc: {  	s7 =	sadd.s32 $0x7E00, s8;
	s10 =	sor.u32 s11, s30;
	s16 =	smul.u32 $0x140, s11  }
0xd: {  	_ =	strace $0x80000047;
	s14 =	ssub.s32 $0x2, s11;
	s12 =	smul.u32 $0x280, s10  }
0xe: {  	s13 =	sshll.u32 s10, $0x8;
	s31 =	sshrl.u32 s14, $0x1;
	s10 =	sshll.u32 s10, $0x4  }
0xf: {  	s13 =	sadd.s32 s13, s8;
	s14 =	ssub.s32 s14, s31;
	s12 =	sadd.s32 s12, s8  }
0x10: {  	s8 =	sadd.s32 s9, s10;
	s9 =	sadd.s32 $0x18E00, s13;
	s10 =	sadd.s32 $0x16E00, s13  }
0x11: {  	s13 =	smax.u32 s14, $0x1;
	s14 =	sadd.s32 s16, s15;
	s15 =	simm.s32 $0xA000  }
0x12: {  	s16 =	simm.s32 $0x2;
	s11 =	sadd.s32 $0x2E00, s12;
	s12 =	sadd.s32 $0x11E00, s12  }
.LBB2_1:
0x13: {  	[tilespmem:s15], [sflag:$0x2] =	stream.linear.gather [hbm4b:s8+s4], $0x80, $0x38;
	[tilespmem:$0xB080] =	vst v63  }
0x14: {  	_ =	swait.ge [sflag:s16], $0x80  }
0x15: {  	[sflag:s16] =	ssyncset.done $0x0  }
0x16: {  	[sflag:s16] =	ssyncadd.s32 $0xFFFFFF80  }
0x17: {  	[tilespmem:s18], [sflag:$0x1] =	stream.indirect.gather [hbm4b:s6+s17], $0x10, s15, s17, $0xb8;
	[tilespmem:$0xB080] =	vst v63  }
0x18: {  	_ =	swait.ge [sflag:s19], $0x800  }
0x19: {  	[sflag:s19] =	ssyncset.done $0x0  }
0x1a: {  	[sflag:s19] =	ssyncadd.s32 $0xFFFFF800  }
0x1b: {  	[hbm4b:s9+s4] =	stream.linear.scatter [tilespmem:s18], [sflag:$0x2], $0x800, $0x38;
	[tilespmem:$0xB080] =	vst v63  }
0x1c: {  	_ =	swait.ge [sflag:s16], $0x800  }
0x1d: {  	[sflag:s16] =	ssyncset.done $0x0  }
0x1e: {  	[sflag:s16] =	ssyncadd.s32 $0xFFFFF800  }
0x1f: {  	[tilespmem:s20], [sflag:$0x1] =	stream.indirect.gather [hbm4b:s7+s17], $0x10, s15, s17, $0xb8;
	[tilespmem:$0xB080] =	vst v63  }
0x20: {  	_ =	swait.ge [sflag:s19], $0x800  }
0x21: {  	[sflag:s19] =	ssyncset.done $0x0  }
0x22: {  	[sflag:s19] =	ssyncadd.s32 $0xFFFFF800  }
0x23: {  	[hbm4b:s10+s4] =	stream.linear.scatter [tilespmem:s20], [sflag:$0x2], $0x800, $0x38;
	[tilespmem:$0xB080] =	vst v63  }
0x24: {  	_ =	swait.ge [sflag:s16], $0x800  }
0x25: {  	[sflag:s16] =	ssyncset.done $0x0  }
0x26: {  	[sflag:s16] =	ssyncadd.s32 $0xFFFFF800  }
0x27: {  	[tilespmem:s4], [sflag:$0x2] =	stream.linear.gather [hbm4b:s5+s4], $0x2800, $0x38;
	[tilespmem:$0xB080] =	vst v63  }
0x28: {  	_ =	swait.ge [sflag:s16], $0x2800  }
0x29: {  	[sflag:s16] =	ssyncset.done $0x0  }
0x2a: {  	[sflag:s16] =	ssyncadd.s32 $0xFFFFD800  }
0x2b: {  	[tilespmem:s21], [sflag:$0x2] =	stream.linear.gather [hbm4b:s1+s4], $0x2800, $0x38;
	[tilespmem:$0xB080] =	vst v63  }
0x2c: {  	_ =	swait.ge [sflag:s16], $0x2800  }
0x2d: {  	[sflag:s16] =	ssyncset.done $0x0  }
0x2e: {  	[sflag:s16] =	ssyncadd.s32 $0xFFFFD800  }
0x2f: {  	[tilespmem:s22], [sflag:$0x2] =	stream.linear.gather [hbm4b:s3+s4], $0x2800, $0x38;
	[tilespmem:$0xB080] =	vst v63  }
0x30: {  	_ =	swait.ge [sflag:s16], $0x2800  }
0x31: {  	[sflag:s16] =	ssyncset.done $0x0  }
0x32: {  	[sflag:s16] =	ssyncadd.s32 $0xFFFFD800  }
0x33: {  	[tilespmem:s23], [sflag:$0x2] =	stream.linear.gather [hbm4b:s11+s4], $0x1400, $0x38;
	[tilespmem:$0xB080] =	vst v63  }
0x34: {  	_ =	swait.ge [sflag:s16], $0x1400  }
0x35: {  	[sflag:s16] =	ssyncset.done $0x0  }
0x36: {  	s26 =	simm.s32 $0x0;
	[sflag:s16] =	ssyncadd.s32 $0xFFFFEC00  }
0x37: {  	v0 =	vld [tilespmem:s26+$0x7800]  }
0x38: {  	v1 =	vmov s14;
	_ =	sdelay $0x4  }
0x39: {  	v2 =	vld.idx.msk [tilespmem:v1+s4+$0x0], $0xffff  }
0x3a: {  	v5 =	vld.idx.msk [tilespmem:v1+s21+$0x0], $0xffff  }
0x3b: {  	v3 =	vld.idx.msk [tilespmem:v0+s4+$0x0], $0xffff  }
0x3c: {  	v4 =	vld.idx.msk [tilespmem:v0+s21+$0x0], $0xffff  }
0x3d: {  	v1 =	vld.idx.msk [tilespmem:v1+s22+$0x0], $0xffff  }
0x3e: {  	v0 =	vld.idx.msk [tilespmem:v0+s22+$0x0], $0xffff;
	_ =	sdelay $0x2  }
0x3f: {  	v2 =	vsub.f32 v2, v3;
	v3 =	vsub.f32 v5, v4;
	_ =	sdelay $0x1  }
0x40: {  	v0 =	vsub.f32 v1, v0;
	v1 =	vand.u32 $0x7FFFFFFF, v2;
	v2 =	vand.u32 $0x7FFFFFFF, v3  }
0x41: {  	v3 =	vsub.f32 $6.283185480e+00, v1;
	v4 =	vsub.f32 $6.283185480e+00, v2  }
0x42: {  	v5 =	vand.u32 $0x7FFFFFFF, v0  }
0x43: {  	s28 =	simm.s32 $0x10;
	v6 =	vsub.f32 $6.283185480e+00, v5;
	v1 =	vmin.f32 v1, v3;
	v2 =	vmin.f32 v2, v4  }
0x44: {  	v0 =	vld [tilespmem:s28+$0x7800];
	v1 =	vmul.f32 v1, v1;
	v2 =	vmul.f32 v2, v2  }
0x45: {  	s29 =	simm.s32 $0x80;
	s30 =	sadd.s32 $0x1, s14;
	v3 =	vmin.f32 v5, v6  }
.LBB2_2:
0x46: {  	p0 =	sne.s32 s29, $0x4FC0;
	v4 =	vmov s30;
	v1 =	vadd.f32 v2, v1;
	v2 =	vmul.f32 v3, v3;
	_ =	sdelay $0x1  }
0x47: {  	v1 =	vadd.f32 v2, v1;
	_ =	sdelay $0x1  }
0x48: {  	[tilespmem:s26+$0x8C00] =	vst v1;
	s26 =	smov.u32 s28  }
0x49: {  	v1 =	vld.idx.msk [tilespmem:v4+s4+$0x0], $0xffff  }
0x4a: {  	v2 =	vld.idx.msk [tilespmem:v0+s4+$0x0], $0xffff  }
0x4b: {  	v3 =	vld.idx.msk [tilespmem:v0+s21+$0x0], $0xffff  }
0x4c: {  	v5 =	vld.idx.msk [tilespmem:v4+s21+$0x0], $0xffff  }
0x4d: {  	v0 =	vld.idx.msk [tilespmem:v0+s22+$0x0], $0xffff  }
0x4e: {  	v4 =	vld.idx.msk [tilespmem:v4+s22+$0x0], $0xffff;
	_ =	sdelay $0x3  }
0x4f: {  	v1 =	vsub.f32 v1, v2;
	v2 =	vsub.f32 v5, v3;
	_ =	sdelay $0x1  }
0x50: {  	v1 =	vand.u32 $0x7FFFFFFF, v1;
	v2 =	vand.u32 $0x7FFFFFFF, v2;
	v0 =	vsub.f32 v4, v0  }
.Ltmp0:
0x51: {  	v3 =	vsub.f32 $6.283185480e+00, v1;
	v4 =	vsub.f32 $6.283185480e+00, v2;
	(pc) =	sbr.rel @p0 .LBB2_2-.Ltmp0, $4  }
0x52: {  	v5 =	vand.u32 $0x7FFFFFFF, v0  }
0x53: {  	s28 =	sshra.s32 s29, $0x2;
	v1 =	vmin.f32 v1, v3;
	v2 =	vmin.f32 v2, v4;
	v3 =	vsub.f32 $6.283185480e+00, v5  }
0x54: {  	v1 =	vmul.f32 v1, v1;
	v2 =	vmul.f32 v2, v2;
	v0 =	vld [tilespmem:s28+$0x7800]  }
0x55: {  	s30 =	sadd.s32 $0x1, s30;
	s29 =	sadd.s32 $0x40, s29;
	v3 =	vmin.f32 v5, v3  }
0x56: {  	_ = 	snop  }
0x57: {  	v4 =	vmov s30;
	v1 =	vadd.f32 v2, v1;
	v56 =	vmul.f32 v3, v3;
	_ =	sdelay $0x1  }
0x58: {  	v1 =	vadd.f32 v56, v1;
	_ =	sdelay $0x1  }
0x59: {  	[tilespmem:s26+$0x8C00] =	vst v1  }
0x5a: {  	v1 =	vld.idx.msk [tilespmem:v4+s4+$0x0], $0xffff  }
0x5b: {  	v57 =	vld.idx.msk [tilespmem:v0+s4+$0x0], $0xffff  }
0x5c: {  	v58 =	vld.idx.msk [tilespmem:v0+s21+$0x0], $0xffff  }
0x5d: {  	v5 =	vld.idx.msk [tilespmem:v4+s21+$0x0], $0xffff  }
0x5e: {  	v59 =	vld.idx.msk [tilespmem:v0+s22+$0x0], $0xffff  }
0x5f: {  	v4 =	vld.idx.msk [tilespmem:v4+s22+$0x0], $0xffff;
	_ =	sdelay $0x2  }
0x60: {  	v1 =	vsub.f32 v1, v57;
	v60 =	vsub.f32 v5, v58;
	_ =	sdelay $0x1  }
0x61: {  	v0 =	vsub.f32 v4, v59;
	v1 =	vand.u32 $0x7FFFFFFF, v1;
	v2 =	vand.u32 $0x7FFFFFFF, v60  }
0x62: {  	v61 =	vsub.f32 $6.283185480e+00, v1;
	v62 =	vsub.f32 $6.283185480e+00, v2  }
0x63: {  	v0 =	vand.u32 $0x7FFFFFFF, v0  }
0x64: {  	v63 =	vsub.f32 $6.283185480e+00, v0;
	v1 =	vmin.f32 v1, v61;
	v2 =	vmin.f32 v2, v62  }
0x65: {  	v1 =	vmul.f32 v1, v1;
	v2 =	vmul.f32 v2, v2  }
0x66: {  	v0 =	vmin.f32 v0, v63  }
0x67: {  	v0 =	vmul.f32 v0, v0;
	v1 =	vadd.f32 v2, v1;
	_ =	sdelay $0x1  }
0x68: {  	s25 =	sadd.s32 $0x1, s25;
	v0 =	vadd.f32 v0, v1  }
0x69: {  	p0 =	sne.s32 s25, s13  }
.Ltmp1:
0x6a: {  	[tilespmem:s28+$0x8C00] =	vst v0;
	(pc) =	sbr.rel @p0 .LBB2_1-.Ltmp1, $4  }
0x6b: {  	[hbm4b:s12+s4] =	stream.linear.scatter [tilespmem:s24], [sflag:$0x2], $0x1400, $0x38;
	[tilespmem:$0xB080] =	vst v63  }
0x6c: {  	_ =	swait.ge [sflag:s16], $0x1400  }
0x6d: {  	[sflag:s16] =	ssyncset.done $0x0  }
0x6e: {  	[sflag:s16] =	ssyncadd.s32 $0xFFFFEC00  }
0x6f: {  	_ =	sfence.sel $0x180000  }
0x70: {  	[bflag:$0x0] =	sbarrier.arrive $0xFFFF  }
0x71: {  	p0 =	sne.s32 s2, $0x0;
	_ =	strace $0x90000047  }
0x72: {  	s0 =	sadd.s32 @!p0 $0x100000, s0;
	[bflag:$0x2] =	sbarrier.arrive $0xFFFF  }
0x73: {  	[sflag:s0] =	ssyncadd.tile.s32 @!p0 $0x1;
	_ =	shalt  }
.Lfunc_end2:
_tile_overlayer_lowered:
.L_overlay_start_2:
0x74: {  	(tag) =	ssettag $0x2  }
0x75: {  	s0 =	rddreg [dreg:$0x0];
	s2 =	stileid.u32  }
0x76: {  	s1 =	rddreg [dreg:$0x1];
	p0 =	sne.s32 s2, $0x0  }
0x77: {  	s3 =	rddreg [dreg:$0x2];
	[bflag:$0x3] =	sbarrier.arrive $0xFFFF;
	s2 =	simm.s32 @!p0 $0x1C02  }
0x78: {  	[timem:s3], [sflag:s2] =	dma.local @!p0 [hbm:s0], s1  }
0x79: {  	s0 =	simm.s32 @!p0 $0x2  }
0x7a: {  	_ =	swait.ge @!p0 [sflag:s0], s1  }
0x7b: {  	s1 =	ssub.s32 @!p0 $0x0, s1;
	[sflag:s0] =	ssyncset.done @!p0 $0x0  }
0x7c: {  	[sflag:s0] =	ssyncadd.s32 @!p0 s1  }
0x7d: {  	[bflag:$0x3] =	sbarrier.arrive $0xFFFF  }
0x7e: {  	_ =	shalt  }

// kernel: kernel.9.cloned.1.call-start
scs
__scs_entry_jumppad:
0x0: {  	(pc) =	sbr.rel $0x88, $3  }
0x1: {  	(tag) =	ssettag $0x0;
	lr =	simm.s32 $0x1  }
0x2: {  	[smem:$0x3F90] =	sst lr;
	_ =	strace $0xD0000000  }
0x3: {  	_ = 	snop  }
0x4: {  	_ = 	snop  }
0x5: {  	_ = 	snop  }
0x6: {  	_ = 	snop  }
0x7: {  	_ = 	snop  }
__scs_overlays_trampoline_lowered:
0x8: {  	[smem:$0x3F9F] =	sst s0  }
0x9: {  	[smem:$0x3FA0] =	sst s1  }
0xa: {  	[smem:$0x3FA1] =	sst s2  }
0xb: {  	[smem:$0x3FA2] =	sst s3  }
0xc: {  	[smem:$0x3FA3] =	sst s4  }
0xd: {  	[smem:$0x3FA4] =	sst s5  }
0xe: {  	[smem:$0x3FA5] =	sst s6  }
0xf: {  	[smem:$0x3FA6] =	sst s7  }
0x10: {  	[smem:$0x3FA7] =	sst s8  }
0x11: {  	[smem:$0x3FA8] =	sst s9;
	s0 =	simm.s32 @!p0 $0x0  }
0x12: {  	s1 =	sld [smem:$0x3F8E];
	s0 =	simm.s32 @p0 $0x1  }
0x13: {  	[smem:$0x3FA9] =	sst s0;
	s0 =	simm.s32 @!p1 $0x0  }
0x14: {  	s2 =	sld [smem:$0x3F8D];
	s0 =	simm.s32 @p1 $0x1  }
0x15: {  	[smem:$0x3FAA] =	sst s0;
	s0 =	simm.s32 @!p2 $0x0  }
0x16: {  	s3 =	sld [smem:$0x3FDB];
	s0 =	simm.s32 @p2 $0x1  }
0x17: {  	s4 =	simm.s32 $0x1BF5;
	[smem:$0x3FAC] =	sst s0  }
0x18: {  	s0 =	sld [smem:$0x3F8F];
	_ =	swait.ge [sflag:s4], $0x0  }
0x19: {  	s7 =	sld [smem:$0x3F90]  }
0x1a: {  	s8 =	sadd.s32 $0xFFFFE003, lr  }
0x1b: {  	s9 =	sadd.s32 $0xFFFFFEF7, lr;
	s5 =	simm.s32 $0xFFFFFFFF;
	p2 =	slt.u32 s8, $0xFFFFF086  }
0x1c: {  	p1 =	slt.u32 s9, $0xF7A;
	s5 =	simm.s32 @!p2 $0x0  }
0x1d: {  	s5 =	simm.s32 @p1 $0x1;
	p0 =	seq.s32 s7, s2  }
0x1e: {  	s7 =	smul.u32 @!p0 $0xF7A, s2;
	p2 =	seq.s32 @!p0 s5, $0x0  }
0x1f: {  	s9 =	smul.u32 $0xF7A, s1;
	s8 =	simm.s32 @!p0 $0x1BF5;
	p2 =	por !p2, p0  }
0x20: {  	[sflag:s8] =	ssyncset.s32 @!p0 $0xFFFFF086;
	s6 =	sadd.s32 @!p0 s3, s7;
	s7 =	simm.s32 @!p0 $0x108  }
0x21: {  	s3 =	sadd.s32 s3, s9;
	s6 =	sadd.s32 @!p0 $0x88, s6;
	s7 =	simm.s32 @p2 $0x1082  }
0x22: {  	[simem:s7], [sflag:s8] =	dma.local @!p0 [hbm:s6], $0xF7A  }
0x23: {  	s9 =	sor.u32 $0xD0000000, s2;
	s6 =	simm.s32 $0x108;
	_ =	swait.ge @!p0 [sflag:s8], $0x0  }
0x24: {  	s3 =	sadd.s32 $0x88, s3;
	s6 =	simm.s32 @!p1 $0x1082;
	[sflag:s4] =	ssyncset.s32 $0xFFFFF086  }
0x25: {  	[simem:s6], [sflag:s4] =	dma.local [hbm:s3], $0xF7A  }
0x26: {  	[smem:$0x3F90] =	sst s1;
	(tag) =	ssettag s2;
	_ =	strace s9  }
0x27: {  	s1 =	sld [smem:$0x3FA0]  }
0x28: {  	s2 =	sld [smem:$0x3FA1]  }
0x29: {  	s4 =	sld [smem:$0x3FA3]  }
0x2a: {  	p0 =	seq.s32 s5, $0x0;
	s5 =	sld [smem:$0x3FA4]  }
0x2b: {  	s6 =	sld [smem:$0x3FA5]  }
0x2c: {  	s7 =	sld [smem:$0x3FA6]  }
0x2d: {  	s3 =	simm.s32 $0x108;
	s8 =	sld [smem:$0x3FA7]  }
0x2e: {  	s3 =	simm.s32 @!p0 $0x1082;
	s9 =	sld [smem:$0x3FA8]  }
0x2f: {  	lr =	sadd.s32 s0, s3;
	s0 =	sld [smem:$0x3F9F]  }
0x30: {  	s3 =	sld [smem:$0x3FA2]  }
0x31: {  	[smem:$0x3FAB] =	sst s10  }
0x32: {  	s10 =	sld [smem:$0x3FA9];
	_ =	sdelay $0x3  }
0x33: {  	p0 =	seq.s32 s10, $0x1;
	s10 =	sld [smem:$0x3FAB];
	_ =	sdelay $0x3  }
0x34: {  	[smem:$0x3FAB] =	sst s10  }
0x35: {  	s10 =	sld [smem:$0x3FAA];
	_ =	sdelay $0x3  }
0x36: {  	p1 =	seq.s32 s10, $0x1;
	s10 =	sld [smem:$0x3FAB];
	_ =	sdelay $0x3  }
0x37: {  	[smem:$0x3FAB] =	sst s10  }
0x38: {  	s10 =	sld [smem:$0x3FAC]  }
0x39: {  	_ = 	snop;
	(pc) =	sbr.ind lr, $3  }
0x3a: {  	_ = 	snop  }
0x3b: {  	_ = 	snop  }
0x3c: {  	p2 =	seq.s32 s10, $0x1;
	s10 =	sld [smem:$0x3FAB]  }
0x3d: {  	_ =	shalt  }
0x3e: {  	_ =	shalt  }
0x3f: {  	_ =	shalt  }
0x40: {  	_ =	shalt  }
0x41: {  	_ =	shalt  }
0x42: {  	_ =	shalt  }
0x43: {  	_ =	shalt  }
0x44: {  	_ =	shalt  }
0x45: {  	_ =	shalt  }
0x46: {  	_ =	shalt  }
0x47: {  	_ =	shalt  }
0x48: {  	_ =	shalt  }
0x49: {  	_ =	shalt  }
0x4a: {  	_ =	shalt  }
0x4b: {  	_ =	shalt  }
0x4c: {  	_ =	shalt  }
0x4d: {  	_ =	shalt  }
0x4e: {  	_ =	shalt  }
0x4f: {  	_ =	shalt  }
0x50: {  	_ =	shalt  }
0x51: {  	_ =	shalt  }
0x52: {  	_ =	shalt  }
0x53: {  	_ =	shalt  }
0x54: {  	_ =	shalt  }
0x55: {  	_ =	shalt  }
0x56: {  	_ =	shalt  }
0x57: {  	_ =	shalt  }
0x58: {  	_ =	shalt  }
0x59: {  	_ =	shalt  }
0x5a: {  	_ =	shalt  }
0x5b: {  	_ =	shalt  }
0x5c: {  	_ =	shalt  }
0x5d: {  	_ =	shalt  }
0x5e: {  	_ =	shalt  }
0x5f: {  	_ =	shalt  }
0x60: {  	_ =	shalt  }
0x61: {  	_ =	shalt  }
0x62: {  	_ =	shalt  }
0x63: {  	_ =	shalt  }
0x64: {  	_ =	shalt  }
0x65: {  	_ =	shalt  }
0x66: {  	_ =	shalt  }
0x67: {  	_ =	shalt  }
0x68: {  	_ =	shalt  }
0x69: {  	_ =	shalt  }
0x6a: {  	_ =	shalt  }
0x6b: {  	_ =	shalt  }
0x6c: {  	_ =	shalt  }
0x6d: {  	_ =	shalt  }
0x6e: {  	_ =	shalt  }
0x6f: {  	_ =	shalt  }
0x70: {  	_ =	shalt  }
0x71: {  	_ =	shalt  }
0x72: {  	_ =	shalt  }
0x73: {  	_ =	shalt  }
0x74: {  	_ =	shalt  }
0x75: {  	_ =	shalt  }
0x76: {  	_ =	shalt  }
0x77: {  	_ =	shalt  }
0x78: {  	_ =	shalt  }
0x79: {  	_ =	shalt  }
0x7a: {  	_ =	shalt  }
0x7b: {  	_ =	shalt  }
0x7c: {  	_ =	shalt  }
0x7d: {  	_ =	shalt  }
0x7e: {  	_ =	shalt  }
0x7f: {  	_ =	shalt  }
0x80: {  	_ =	shalt  }
0x81: {  	_ =	shalt  }
0x82: {  	_ =	shalt  }
0x83: {  	_ =	shalt  }
0x84: {  	_ =	shalt  }
0x85: {  	_ =	shalt  }
0x86: {  	_ =	shalt  }
0x87: {  	_ =	shalt  }
.Lfunc_end0:
.L_simem_size_0:
called_computation.1_lowered:
.L_overlay_start_0:
0x88: {  	s2 =	sld [smem:$0x3FD9]  }
0x89: {  	s3 =	sld [smem:$0x3FFE];
	_ =	sdelay $0x1  }
0x8a: {  	s1 =	srdreg.scid  }
0x8b: {  	s0 =	sand.u32 $0x1, s1  }
0x8c: {  	s16 =	sshll.u32 s0, $0xA;
	s2 =	sadd.s32 s3, s2  }
0x8d: {  	s2 =	sadd.s32 s2, s16  }
0x8e: {  	[smem:$0x3FB7] =	sst s2  }
0x8f: {  	_ = 	snop  }
0x90: {  	(tm) =	ssettm $0x1  }
0x91: {  	s17 =	sld [smem:$0x3FFB];
	_ =	sdelay $0x3  }
0x92: {  	_ =	strace s17  }
0x93: {  	s2 =	sld [smem:$0x3FFC];
	_ =	sdelay $0x3  }
0x94: {  	_ =	strace s2  }
0x95: {  	s2 =	sld [smem:$0x3FFD];
	_ =	sdelay $0x3  }
0x96: {  	_ =	strace s2  }
0x97: {  	_ =	strace $0x8FFFFFFF  }
0x98: {  	s18 =	sld [smem:$0x3FDB];
	_ =	sdelay $0x1  }
0x99: {  	s19 =	simm.s32 $_scs_section_size  }
0x9a: {  	s4 =	simm.s32 $_size__tile_overlayer_lowered;
	s5 =	simm.s32 $_tile_overlayer_lowered  }
0x9b: {  	s22 =	simm.s32 $0x1BFF;
	s21 =	sshll.u32 s5, $0x1;
	s2 =	sadd.s32 s19, s18  }
0x9c: {  	s6 =	simm.s32 $0x0;
	s20 =	sshll.u32 s4, $0x1;
	s4 =	sadd.s32 s21, s2  }
0x9d: {  	[timem:s6], [sflag:s22] =	dma.local [hbm:s4], s20  }
0x9e: {  	_ =	swait.ge [sflag:s22], s20  }
0x9f: {  	s3 =	ssub.s32 $0x0, s20;
	[sflag:s22] =	ssyncset.done $0x0  }
0xa0: {  	[sflag:s22] =	ssyncadd.s32 s3;
	_ =	sdelay $0x1  }
0xa1: {  	s23 =	simm.s32 $0x1B8B  }
0xa2: {  	_ =	swait.ge [sflag:s23], $0x1  }
0xa3: {  	[sflag:s23] =	ssyncset.done $0x0  }
0xa4: {  	s25 =	simm.s32 $0x1B8E;
	s24 =	sld [smem:$0x3FFE];
	[sflag:s23] =	ssyncadd.s32 $0xFFFFFFFF  }
0xa5: {  	s26 =	simm.s32 $execute0_lowered;
	[smem:$0x3FD2] =	sst s25  }
0xa6: {  	s4 =	sshll.u32 s26, $0x1;
	_ =	strace $0x80000049;
	[dreg:$0x1] =	wrdreg $0xFFFFFFFF  }
0xa7: {  	s28 =	simm.s32 $_size_execute0_lowered;
	s2 =	sadd.s32 s2, s4;
	[dreg:$0x0] =	wrdreg $0x0  }
0xa8: {  	s4 =	sshll.u32 s28, $0x1;
	[dreg:$0x2] =	wrdreg s2  }
0xa9: {  	[dreg:$0x3] =	wrdreg s4  }
0xaa: {  	[dreg:$0x4] =	wrdreg $0xC0  }
0xab: {  	_ =	task [dreg:s6], $0x5FFFF  }
0xac: {  	[dreg:$0x1] =	wrdreg $0xFFFFFFFF  }
0xad: {  	[dreg:$0x0] =	wrdreg $0x60  }
0xae: {  	[dreg:$0x2] =	wrdreg s24  }
0xaf: {  	[dreg:$0x3] =	wrdreg $0x9  }
0xb0: {  	_ =	task.clear_ibuf [dreg:s6], $0x4FFFF;
	_ =	strace $0x90000049  }
0xb1: {  	s29 =	simm.s32 $0x9;
	_ =	strace $0x8000004B  }
0xb2: {  	_ =	swait.ge [sflag:s29], $0x1  }
0xb3: {  	[sflag:s29] =	ssyncadd.s32 $0xFFFFFFFF  }
0xb4: {  	_ =	strace $0x9000004B  }
0xb5: {  	_ =	sfence  }
0xb6: {  	s30 =	sld [smem:$0x0];
	_ =	sdelay $0x2  }
0xb7: {  	s31 =	sshll.u32 s1, $0xD;
	s1 =	sshrl.u32 s1, $0x2  }
0xb8: {  	s3 =	sand.u32 $0x4000, s31;
	s1 =	sadd.s32 s1, s30  }
0xb9: {  	s0 =	sor.u32 s3, s0;
	s1 =	sshll.u32 s1, $0x11  }
0xba: {  	s0 =	sor.u32 s1, s0  }
0xbb: {  	s0 =	sadd.s32 $0x8F2B, s0  }
0xbc: {  	[sflag:s0] =	ssyncadd.remote.s32 $0x1  }
0xbd: {  	_ =	sfence.sel $0xFFFF  }
0xbe: {  	[dreg:$0x0] =	wrdreg $0xFFFFFFFF;
	(pc) =	sbr.abs _section_cstart, $3  }
0xbf: {  	[dreg:$0x1] =	wrdreg $0xFFFFFFFF  }
0xc0: {  	_ =	task.clear_ibuf [dreg:s6], $0x2FFFF;
	_ =	strace $0x9FFFFFFF  }
0xc1: {  	(tm) =	ssettm $0x7FFFFFFF  }
tec
execute0_lowered:
.L_overlay_start_1:
0x0: {  	(tag) =	ssettag $0x1  }
0x1: {  	s4 =	rddreg [dreg:$0x0]  }
0x2: {  	s0 =	rddreg [dreg:$0x1];
	s2 =	simm.s32 $0x0;
	s3 =	srdreg.scid  }
0x3: {  	s1 =	stileid.u32;
	s10 =	simm.s32 $0x0;
	[smem:$0x7FF] =	sst s2  }
0x4: {  	s5 =	sand.u32 $0x1, s3;
	s6 =	sshll.u32 s1, $0xC;
	s3 =	sadd.s32 $0x2800, s4  }
0x5: {  	s8 =	sshll.u32 s1, $0xD;
	_ =	strace $0x8000004A;
	s7 =	sshll.u32 s5, $0xB  }
0x6: {  	s31 =	ssub.s32 $0x2, s5;
	s8 =	sadd.s32 s8, s4;
	s5 =	sshll.u32 s5, $0xC  }
0x7: {  	s6 =	sor.u32 s7, s6;
	s9 =	sshrl.u32 s31, $0x1;
	s5 =	sadd.s32 s5, s8  }
0x8: {  	s8 =	simm.s32 $0x80;
	s6 =	sshrl.u32 s6, $0x3;
	s7 =	ssub.s32 s31, s9  }
0x9: {  	s5 =	sadd.s32 $0x1B400, s5;
	s9 =	simm.s32 $0x1;
	s6 =	sadd.s32 s6, s4  }
0xa: {  	s4 =	smax.u32 s7, $0x1;
	s7 =	simm.s32 $0x2;
	s6 =	sadd.s32 $0x18E00, s6  }
.LBB2_1:
0xb: {  	s11 =	sadd.s32 $0x0, s6  }
0xc: {  	[tilespmem:s2], [sflag:$0x2] =	stream.linear.gather [hbm4b:s11+s2], $0x80, $0x38;
	[tilespmem:$0x880] =	vst v63  }
0xd: {  	_ =	swait.ge [sflag:s7], $0x80  }
0xe: {  	[sflag:s7] =	ssyncset.done $0x0  }
0xf: {  	[sflag:s7] =	ssyncadd.s32 $0xFFFFFF80  }
0x10: {  	[tilespmem:s8], [sflag:$0x1] =	stream.indirect.gather [hbm4b:s3+s8], $0x10, s2, s8, $0xb8;
	[tilespmem:$0x880] =	vst v63  }
0x11: {  	_ =	swait.ge [sflag:s9], $0x800  }
0x12: {  	[sflag:s9] =	ssyncset.done $0x0  }
0x13: {  	[sflag:s9] =	ssyncadd.s32 $0xFFFFF800  }
0x14: {  	[hbm4b:s5+s2] =	stream.linear.scatter [tilespmem:s8], [sflag:$0x2], $0x800, $0x38;
	[tilespmem:$0x880] =	vst v63  }
0x15: {  	s12 =	simm.s32 $0x10;
	_ =	swait.ge [sflag:s7], $0x800  }
0x16: {  	s13 =	simm.s32 $0x20;
	s11 =	sadd.s32 $0x100, s5;
	[sflag:s7] =	ssyncset.done $0x0  }
.LBB2_2:
0x17: {  	s14 =	sadd.s32 s12, s6  }
0x18: {  	[sflag:s7] =	ssyncadd.s32 $0xFFFFF800;
	s12 =	smov.u32 s13;
	s15 =	sadd.s32 $0x10, s13  }
0x19: {  	[tilespmem:s2], [sflag:$0x2] =	stream.linear.gather [hbm4b:s14+s2], $0x80, $0x38;
	[tilespmem:$0x880] =	vst v63  }
0x1a: {  	p0 =	sne.s32 s13, $0xF0;
	_ =	swait.ge [sflag:s7], $0x80  }
0x1b: {  	[sflag:s7] =	ssyncset.done $0x0  }
0x1c: {  	[sflag:s7] =	ssyncadd.s32 $0xFFFFFF80  }
0x1d: {  	[tilespmem:s8], [sflag:$0x1] =	stream.indirect.gather [hbm4b:s3+s8], $0x10, s2, s8, $0xb8;
	[tilespmem:$0x880] =	vst v63  }
0x1e: {  	_ =	swait.ge [sflag:s9], $0x800  }
.Ltmp0:
0x1f: {  	[sflag:s9] =	ssyncset.done $0x0;
	(pc) =	sbr.rel @p0 .LBB2_2-.Ltmp0, $4  }
0x20: {  	[sflag:s9] =	ssyncadd.s32 $0xFFFFF800  }
0x21: {  	[hbm4b:s11+s2] =	stream.linear.scatter [tilespmem:s8], [sflag:$0x2], $0x800, $0x38;
	[tilespmem:$0x880] =	vst v63  }
0x22: {  	_ =	swait.ge [sflag:s7], $0x800  }
0x23: {  	s13 =	smov.u32 s15;
	s11 =	sadd.s32 $0x100, s11;
	[sflag:s7] =	ssyncset.done $0x0  }
0x24: {  	s12 =	sadd.s32 s12, s6;
	[sflag:s7] =	ssyncadd.s32 $0xFFFFF800  }
0x25: {  	[tilespmem:s2], [sflag:$0x2] =	stream.linear.gather [hbm4b:s12+s2], $0x80, $0x38;
	[tilespmem:$0x880] =	vst v63  }
0x26: {  	_ =	swait.ge [sflag:s7], $0x80  }
0x27: {  	[sflag:s7] =	ssyncset.done $0x0  }
0x28: {  	[sflag:s7] =	ssyncadd.s32 $0xFFFFFF80  }
0x29: {  	[tilespmem:s8], [sflag:$0x1] =	stream.indirect.gather [hbm4b:s3+s8], $0x10, s2, s8, $0xb8;
	[tilespmem:$0x880] =	vst v63  }
0x2a: {  	s10 =	sadd.s32 $0x1, s10;
	_ =	swait.ge [sflag:s9], $0x800  }
0x2b: {  	p0 =	sne.s32 s10, s4;
	[sflag:s9] =	ssyncset.done $0x0  }
.Ltmp1:
0x2c: {  	[sflag:s9] =	ssyncadd.s32 $0xFFFFF800;
	(pc) =	sbr.rel @p0 .LBB2_1-.Ltmp1, $4  }
0x2d: {  	[hbm4b:s11+s2] =	stream.linear.scatter [tilespmem:s8], [sflag:$0x2], $0x800, $0x38;
	[tilespmem:$0x880] =	vst v63  }
0x2e: {  	_ =	swait.ge [sflag:s7], $0x800  }
0x2f: {  	[sflag:s7] =	ssyncset.done $0x0  }
0x30: {  	[sflag:s7] =	ssyncadd.s32 $0xFFFFF800  }
0x31: {  	_ =	sfence.sel $0x180000  }
0x32: {  	[bflag:$0x0] =	sbarrier.arrive $0xFFFF  }
0x33: {  	p0 =	sne.s32 s1, $0x0;
	_ =	strace $0x9000004A  }
0x34: {  	s0 =	sadd.s32 @!p0 $0x100000, s0;
	[bflag:$0x2] =	sbarrier.arrive $0xFFFF  }
0x35: {  	[sflag:s0] =	ssyncadd.tile.s32 @!p0 $0x1;
	_ =	shalt  }
.Lfunc_end2:
_tile_overlayer_lowered:
.L_overlay_start_2:
0x36: {  	(tag) =	ssettag $0x2  }
0x37: {  	s0 =	rddreg [dreg:$0x0];
	s2 =	stileid.u32  }
0x38: {  	s1 =	rddreg [dreg:$0x1];
	p0 =	sne.s32 s2, $0x0  }
0x39: {  	s3 =	rddreg [dreg:$0x2];
	[bflag:$0x3] =	sbarrier.arrive $0xFFFF;
	s2 =	simm.s32 @!p0 $0x1C02  }
0x3a: {  	[timem:s3], [sflag:s2] =	dma.local @!p0 [hbm:s0], s1  }
0x3b: {  	s0 =	simm.s32 @!p0 $0x2  }
0x3c: {  	_ =	swait.ge @!p0 [sflag:s0], s1  }
0x3d: {  	s1 =	ssub.s32 @!p0 $0x0, s1;
	[sflag:s0] =	ssyncset.done @!p0 $0x0  }
0x3e: {  	[sflag:s0] =	ssyncadd.s32 @!p0 s1  }
0x3f: {  	[bflag:$0x3] =	sbarrier.arrive $0xFFFF  }
0x40: {  	_ =	shalt  }

</sc_bundles>
